<compile_context>
chip_gen: v7x
topology: tpu7x:2x2x1
jax: 0.10.2.dev20260603
libtpu: 0.0.44.dev20260713+nightly
codegen_flags: <defaults>
</compile_context>

<pallas_src>
import jax
import jax.numpy as jnp
from jax.experimental import pallas as pl
from jax.experimental.pallas import tpu as pltpu

_HI = jax.lax.Precision.HIGHEST


def _mm(a, b):
    return jnp.dot(a, b, precision=_HI, preferred_element_type=jnp.float32)


V = 20000
P = 32
COUT = 64
M = 15
SIGMA = 0.3
EPS = 1e-5
VPAD = 20480
TILE_V1 = 2048
TILE_V2 = 200
TILE_R = 2000
N1 = V * P
NF = 11
NS = 1 + NF * P


def _p1_body(xr_ref, yr_ref, zr_ref, f0_ref, f1_ref, f2_ref, f3_ref,
             co_ref, npv_ref, valid_ref, thr2_ref, anch_ref, act_ref, s_ref):
    i = pl.program_id(0)
    co = co_ref[...]
    cxy = jnp.float32(0.1) + jnp.float32(-51.2)
    cz = jnp.float32(4.0) + jnp.float32(-5.0)
    ax = co[3:4, :] * 0.2 + cxy
    ay = co[2:3, :] * 0.2 + cxy
    az = co[1:2, :] * 8.0 + cz
    anch_ref[...] = jnp.concatenate([ax, ay, az], axis=0)
    x0, y0, z0 = xr_ref[...], yr_ref[...], zr_ref[...]
    empty = (x0 == 0.0) & (y0 == 0.0) & (z0 == 0.0)
    x = jnp.where(empty, ax, x0)
    y = jnp.where(empty, ay, y0)
    z = jnp.where(empty, az, z0)
    adx = x - ax
    ady = y - ay
    adz = z - az
    r2 = adx * adx + ady * ady + adz * adz
    rmin2 = jnp.min(r2, axis=0, keepdims=True)
    act_ref[...] = (rmin2 < thr2_ref[...]).astype(jnp.float32)
    cx = jnp.mean(x, axis=0, keepdims=True)
    cy = jnp.mean(y, axis=0, keepdims=True)
    cdx = x - cx
    cdy = y - cy
    shp = (P, x.shape[1])
    xs = jnp.concatenate([
        jnp.ones((1, x.shape[1]), jnp.float32),
        f0_ref[...], f1_ref[...], f2_ref[...], f3_ref[...],
        adx, ady, cdx, cdy,
        jnp.broadcast_to(cx, shp), jnp.broadcast_to(cy, shp),
        jnp.broadcast_to(npv_ref[...], shp),
    ], axis=0)
    xs = xs * valid_ref[...]
    s = jax.lax.dot_general(xs, xs, (((1,), (1,)), ((), ())),
                            precision=_HI, preferred_element_type=jnp.float32)

    @pl.when(i == 0)
    def _():
        s_ref[...] = s

    @pl.when(i > 0)
    def _():
        s_ref[...] = s_ref[...] + s


def _build_features(vox, coors_f, npv):
    cxy = jnp.float32(0.1) + jnp.float32(-51.2)
    cz = jnp.float32(4.0) + jnp.float32(-5.0)
    ax = coors_f[:, 3:4] * 0.2 + cxy
    ay = coors_f[:, 2:3] * 0.2 + cxy
    az = coors_f[:, 1:2] * 8.0 + cz
    anchors = jnp.concatenate([ax, ay, az], axis=1)
    xyz_raw = vox[:, :, 0:3]
    empty = ((vox[:, :, 0:1] == 0.0) & (vox[:, :, 1:2] == 0.0)
             & (vox[:, :, 2:3] == 0.0))
    xyz = jnp.where(empty, anchors[:, None, :], xyz_raw)
    feats = vox[:, :, 3:7]
    adiff = xyz - anchors[:, None, :]
    cent = jnp.mean(xyz, axis=1, keepdims=True)
    cdiff = xyz - cent
    cexp = jnp.broadcast_to(cent, xyz.shape)
    npx = jnp.broadcast_to(npv[:, :, None], (xyz.shape[0], P, 1))
    x11 = jnp.concatenate(
        [feats, adiff[:, :, :2], cdiff[:, :, :2], cexp[:, :, :2], npx], axis=2)
    return xyz, x11, anchors


def _p2_body(flags_ref, vox_ref, coors_ref, npv_ref, w1_ref, b1_ref,
             sc1_ref, sh1_ref, kpx_ref, kpy_ref, kpz_ref, wkf_ref,
             out_ref, s_ref, ss_ref):
    i = pl.program_id(0)
    flag = flags_ref[i]

    @pl.when(i == 0)
    def _():
        s_ref[...] = jnp.zeros_like(s_ref)
        ss_ref[...] = jnp.zeros_like(ss_ref)

    @pl.when(flag > 0)
    def _():
        coors_f = coors_ref[...].astype(jnp.float32)
        xyz, x11_3, anchors = _build_features(vox_ref[...], coors_f,
                                              npv_ref[...])
        x11 = x11_3.reshape(TILE_V2 * P, NF)
        u = _mm(x11, w1_ref[...]) + b1_ref[...]
        h = jnp.maximum(u * sc1_ref[...] + sh1_ref[...], 0.0)
        rel = (xyz - anchors[:, None, :]).reshape(TILE_V2 * P, 3)
        dx = rel[:, 0:1] - kpx_ref[...]
        dy = rel[:, 1:2] - kpy_ref[...]
        dz = rel[:, 2:3] - kpz_ref[...]
        d = jnp.sqrt(dx * dx + dy * dy + dz * dz)
        w = jnp.maximum(1.0 - d * (1.0 / SIGMA), 0.0)
        h3 = h.reshape(TILE_V2, P, COUT)
        w3 = w.reshape(TILE_V2, P, M)
        aggs = [jnp.sum(w3[:, :, m:m + 1] * h3, axis=1) for m in range(M)]
        agg = jnp.concatenate(aggs, axis=1)
        out = _mm(agg, wkf_ref[...])
        out_ref[...] = out
        s_ref[...] = s_ref[...] + jnp.sum(out, axis=0, keepdims=True)
        ss_ref[...] = ss_ref[...] + jnp.sum(out * out, axis=0, keepdims=True)

    @pl.when(flag <= 0)
    def _():
        out_ref[...] = jnp.zeros_like(out_ref)


def _p3_body(out_ref, sc2_ref, sh2_ref, w2_ref, b2_ref, z_ref, s_ref, ss_ref):
    i = pl.program_id(0)
    t = out_ref[...] * sc2_ref[...] + sh2_ref[...]
    y = jnp.where(t >= 0.0, t, 0.1 * t)
    z = _mm(y, w2_ref[...]) + b2_ref[...]
    z_ref[...] = z
    su = jnp.sum(z, axis=0, keepdims=True)
    ssq = jnp.sum(z * z, axis=0, keepdims=True)

    @pl.when(i == 0)
    def _():
        s_ref[...] = su
        ss_ref[...] = ssq

    @pl.when(i > 0)
    def _():
        s_ref[...] = s_ref[...] + su
        ss_ref[...] = ss_ref[...] + ssq


def _p4_body(z_ref, sc3_ref, sh3_ref, x_ref):
    x_ref[...] = jnp.maximum(z_ref[...] * sc3_ref[...] + sh3_ref[...], 0.0)


def _bn_from_sums(s, ss, n, g, b):
    m = s / n
    v = jnp.maximum(ss / n - m * m, 0.0)
    sc = g[None, :] / jnp.sqrt(v + EPS)
    sh = b[None, :] - m * sc
    return sc, sh


def kernel(voxels, coors, num_points_per_voxel, pts, W1, b1, g1, be1,
           kpoints, Wk, gk, bk, W2, b2, g2, be2):
    del pts
    f32 = jnp.float32
    npv = num_points_per_voxel.astype(f32).reshape(V, 1)
    b1r = b1[None, :]
    kpx = kpoints[:, 0][None, :]
    kpy = kpoints[:, 1][None, :]
    kpz = kpoints[:, 2][None, :]
    wkf = Wk.reshape(M * COUT, COUT)
    b2r = b2[None, :]

    pad = ((0, 0), (0, VPAD - V))
    xr = jnp.pad(voxels[:, :, 0].T, pad)
    yr = jnp.pad(voxels[:, :, 1].T, pad)
    zr = jnp.pad(voxels[:, :, 2].T, pad)
    f0 = jnp.pad(voxels[:, :, 3].T, pad)
    f1 = jnp.pad(voxels[:, :, 4].T, pad)
    f2 = jnp.pad(voxels[:, :, 5].T, pad)
    f3 = jnp.pad(voxels[:, :, 6].T, pad)
    coT = jnp.pad(coors.T.astype(f32), pad)
    npvT = jnp.pad(npv.T, pad)
    valid = jnp.pad(jnp.ones((1, V), f32), pad)
    kpmax = jnp.sqrt(jnp.max(jnp.sum(kpoints * kpoints, axis=1)))
    thr2 = ((SIGMA + kpmax + 1e-4) ** 2).reshape(1, 1)

    n_t1 = VPAD // TILE_V1
    vspec = pl.BlockSpec((P, TILE_V1), lambda i: (0, i))
    rspec = pl.BlockSpec((1, TILE_V1), lambda i: (0, i))
    anchT, actT, smom = pl.pallas_call(
        _p1_body,
        grid=(n_t1,),
        in_specs=[vspec, vspec, vspec, vspec, vspec, vspec, vspec,
                  pl.BlockSpec((4, TILE_V1), lambda i: (0, i)),
                  rspec, rspec,
                  pl.BlockSpec((1, 1), lambda i: (0, 0))],
        out_specs=[
            pl.BlockSpec((3, TILE_V1), lambda i: (0, i)),
            rspec,
            pl.BlockSpec((NS, NS), lambda i: (0, 0)),
        ],
        out_shape=[
            jax.ShapeDtypeStruct((3, VPAD), f32),
            jax.ShapeDtypeStruct((1, VPAD), f32),
            jax.ShapeDtypeStruct((NS, NS), f32),
        ],
    )(xr, yr, zr, f0, f1, f2, f3, coT, npvT, valid, thr2)

    anchors = anchT[:, :V].T
    act = actT[0, :V]

    sx = smom[0, 1:].reshape(NF, P).sum(axis=1)
    sxx = jnp.einsum('apbp->ab', smom[1:, 1:].reshape(NF, P, NF, P))
    mx = sx / N1
    cov = sxx / N1 - jnp.outer(mx, mx)
    mean_u = mx @ W1 + b1
    var_u = jnp.maximum(jnp.sum(W1 * (cov @ W1), axis=0), 0.0)
    sc1 = (g1 / jnp.sqrt(var_u + EPS))[None, :]
    sh1 = (be1 - mean_u * (g1 / jnp.sqrt(var_u + EPS)))[None, :]

    order = jnp.argsort(-act)
    csum = jnp.cumsum(act)
    n_act = csum[V - 1]
    iota_v = jnp.arange(V, dtype=f32)
    inv = jnp.where(act > 0.5, csum - 1.0, n_act + iota_v - csum).astype(jnp.int32)
    voxels_s = voxels[order]
    coors_s = coors[order]
    npv_s = npv[order]
    n_t2 = V // TILE_V2
    flags = ((jnp.arange(n_t2, dtype=f32) * TILE_V2) < n_act).astype(jnp.int32)

    def _vix(i, fl):
        return (jnp.where(fl[i] > 0, i, 0), 0, 0)

    def _rix(i, fl):
        return (jnp.where(fl[i] > 0, i, 0), 0)

    def _zero2(i, fl):
        return (0, 0)

    grid2 = pltpu.PrefetchScalarGridSpec(
        num_scalar_prefetch=1,
        grid=(n_t2,),
        in_specs=[
            pl.BlockSpec((TILE_V2, P, 7), _vix),
            pl.BlockSpec((TILE_V2, 4), _rix),
            pl.BlockSpec((TILE_V2, 1), _rix),
            pl.BlockSpec((NF, COUT), _zero2),
            pl.BlockSpec((1, COUT), _zero2),
            pl.BlockSpec((1, COUT), _zero2),
            pl.BlockSpec((1, COUT), _zero2),
            pl.BlockSpec((1, M), _zero2),
            pl.BlockSpec((1, M), _zero2),
            pl.BlockSpec((1, M), _zero2),
            pl.BlockSpec((M * COUT, COUT), _zero2),
        ],
        out_specs=[
            pl.BlockSpec((TILE_V2, COUT), lambda i, fl: (i, 0)),
            pl.BlockSpec((1, COUT), _zero2),
            pl.BlockSpec((1, COUT), _zero2),
        ],
    )
    out_s, s2, ss2 = pl.pallas_call(
        _p2_body,
        grid_spec=grid2,
        out_shape=[
            jax.ShapeDtypeStruct((V, COUT), f32),
            jax.ShapeDtypeStruct((1, COUT), f32),
            jax.ShapeDtypeStruct((1, COUT), f32),
        ],
    )(flags, voxels_s, coors_s, npv_s, W1, b1r, sc1, sh1, kpx, kpy, kpz, wkf)

    sc2, sh2 = _bn_from_sums(s2, ss2, V, gk, bk)

    n_r = V // TILE_R
    z, s3, ss3 = pl.pallas_call(
        _p3_body,
        grid=(n_r,),
        in_specs=[
            pl.BlockSpec((TILE_R, COUT), lambda i: (i, 0)),
            pl.BlockSpec((1, COUT), lambda i: (0, 0)),
            pl.BlockSpec((1, COUT), lambda i: (0, 0)),
            pl.BlockSpec((COUT, COUT), lambda i: (0, 0)),
            pl.BlockSpec((1, COUT), lambda i: (0, 0)),
        ],
        out_specs=[
            pl.BlockSpec((TILE_R, COUT), lambda i: (i, 0)),
            pl.BlockSpec((1, COUT), lambda i: (0, 0)),
            pl.BlockSpec((1, COUT), lambda i: (0, 0)),
        ],
        out_shape=[
            jax.ShapeDtypeStruct((V, COUT), f32),
            jax.ShapeDtypeStruct((1, COUT), f32),
            jax.ShapeDtypeStruct((1, COUT), f32),
        ],
    )(out_s, sc2, sh2, W2, b2r)

    sc3, sh3 = _bn_from_sums(s3, ss3, V, g2, be2)

    x_s = pl.pallas_call(
        _p4_body,
        grid=(n_r,),
        in_specs=[
            pl.BlockSpec((TILE_R, COUT), lambda i: (i, 0)),
            pl.BlockSpec((1, COUT), lambda i: (0, 0)),
            pl.BlockSpec((1, COUT), lambda i: (0, 0)),
        ],
        out_specs=pl.BlockSpec((TILE_R, COUT), lambda i: (i, 0)),
        out_shape=jax.ShapeDtypeStruct((V, COUT), f32),
    )(z, sc3, sh3)

    x = x_s[inv]
    return (anchors, x)

# --- scband reference (transcript-rebuilt; emitter-appended) ---
"""Pipeline reference for scband-kpbevencoder-86011015069861 (READ-ONLY COPY).

The authoritative reference and input builder live on the scoring server;
editing this copy changes nothing except your own understanding.
"""

import jax, jax.numpy as jnp
import numpy as np

V = 20000
P = 32
CIN = 4
COUT = 64
M = 15
SIGMA = 0.3
PCR_MIN = (-51.2, -51.2, -5.0)
VS = (0.2, 0.2, 8.0)


def _bn(x, g, b, eps=1e-5):
    m = jnp.mean(x, axis=0)
    v = jnp.var(x, axis=0)
    return (x - m) / jnp.sqrt(v + eps) * g + b


def setup_inputs(seed: int = 0) -> dict:
    key = jax.random.key(seed)
    ks = jax.random.split(key, 16)
    voxels = jax.random.normal(ks[0], (V, P, CIN + 3), dtype=jnp.float32)
    bcol = jax.random.randint(ks[1], (V, 1), 0, 2)
    zcol = jnp.zeros((V, 1), dtype=jnp.int32)
    ycol = jax.random.randint(ks[2], (V, 1), 0, 512)
    xcol = jax.random.randint(ks[3], (V, 1), 0, 512)
    coors = jnp.concatenate([bcol, zcol, ycol, xcol], axis=1).astype(jnp.int32)
    num_points_per_voxel = jax.random.randint(ks[4], (V,), 1, P + 1)
    pts = jax.random.normal(ks[5], (V * P, 4), dtype=jnp.float32)
    W1 = jax.random.normal(ks[6], (CIN + 7, COUT), dtype=jnp.float32) * 0.1
    b1 = jnp.zeros((COUT,), dtype=jnp.float32)
    g1 = jnp.ones((COUT,), dtype=jnp.float32)
    be1 = jnp.zeros((COUT,), dtype=jnp.float32)
    kpoints = jax.random.normal(ks[7], (M, 3), dtype=jnp.float32) * SIGMA
    Wk = jax.random.normal(ks[8], (M, COUT, COUT), dtype=jnp.float32) * 0.05
    gk = jnp.ones((COUT,), dtype=jnp.float32)
    bk = jnp.zeros((COUT,), dtype=jnp.float32)
    W2 = jax.random.normal(ks[9], (COUT, COUT), dtype=jnp.float32) * 0.1
    b2 = jnp.zeros((COUT,), dtype=jnp.float32)
    g2 = jnp.ones((COUT,), dtype=jnp.float32)
    be2 = jnp.zeros((COUT,), dtype=jnp.float32)
    return {"voxels": voxels, "coors": coors, "num_points_per_voxel": num_points_per_voxel,
            "pts": pts, "W1": W1, "b1": b1, "g1": g1, "be1": be1,
            "kpoints": kpoints, "Wk": Wk, "gk": gk, "bk": bk,
            "W2": W2, "b2": b2, "g2": g2, "be2": be2}


def reference(voxels, coors, num_points_per_voxel, pts, W1, b1, g1, be1,
              kpoints, Wk, gk, bk, W2, b2, g2, be2):
    cmin_zyx = jnp.array([PCR_MIN[2], PCR_MIN[1], PCR_MIN[0]], dtype=jnp.float32)
    vs_zyx = jnp.array([VS[2], VS[1], VS[0]], dtype=jnp.float32)
    anchors_zyx = coors[:, 1:].astype(jnp.float32) * vs_zyx + vs_zyx / 2.0 + cmin_zyx
    anchors = anchors_zyx[:, jnp.array([2, 1, 0])]
    empty = jnp.all(voxels[:, :, :3] == 0, axis=2)
    xyz = jnp.where(empty[:, :, None], anchors[:, None, :], voxels[:, :, :3])
    feats = voxels[:, :, 3:]
    anchors_diff = xyz - anchors[:, None, :]
    v = jnp.concatenate([xyz, feats, anchors_diff[:, :, :2]], axis=2)
    centroids = jnp.mean(xyz, axis=1)
    centroids_diff = xyz - centroids[:, None, :]
    v = jnp.concatenate([v, centroids_diff[:, :, :2]], axis=2)
    cexp = jnp.broadcast_to(centroids[:, None, :], (xyz.shape[0], xyz.shape[1], 3))
    v = jnp.concatenate([v, cexp[:, :, :2]], axis=2)
    npx = jnp.broadcast_to(num_points_per_voxel.astype(jnp.float32)[:, None, None],
                           (xyz.shape[0], xyz.shape[1], 1))
    v = jnp.concatenate([v, npx], axis=2)
    flat = v.reshape(-1, v.shape[2])
    supports = flat[:, :3]
    x = flat[:, 3:]
    x = jax.nn.relu(_bn(x @ W1 + b1, g1, be1))
    # KPConv (SimpleBlock): kernel-point convolution over voxel-local neighborhoods
    nf = x.reshape(V, P, COUT)
    rel = supports.reshape(V, P, 3) - anchors[:, None, :]
    d = jnp.linalg.norm(rel[:, :, None, :] - kpoints[None, None, :, :], axis=-1)
    w = jax.nn.relu(1.0 - d / SIGMA)
    agg = jnp.einsum('vpm,vpc->vmc', w, nf)
    out = jnp.einsum('vmc,mcd->vd', agg, Wk)
    out = jax.nn.leaky_relu(_bn(out, gk, bk), 0.1)
    x = jax.nn.relu(_bn(out @ W2 + b2, g2, be2))
    return (anchors, x)

if __name__ == "__main__":
    import jax
    _d = setup_inputs()
    print(jax.jit(kernel)(*tuple(_d.values())))

</pallas_src>

<mosaic_0001>
module attributes {stable_mosaic.version = 14 : i64} {
  func.func @_p1_body(%arg0: i32, %arg1: memref<32x2048xf32, #tpu.memory_space<vmem>>, %arg2: memref<32x2048xf32, #tpu.memory_space<vmem>>, %arg3: memref<32x2048xf32, #tpu.memory_space<vmem>>, %arg4: memref<32x2048xf32, #tpu.memory_space<vmem>>, %arg5: memref<32x2048xf32, #tpu.memory_space<vmem>>, %arg6: memref<32x2048xf32, #tpu.memory_space<vmem>>, %arg7: memref<32x2048xf32, #tpu.memory_space<vmem>>, %arg8: memref<4x2048xf32, #tpu.memory_space<vmem>>, %arg9: memref<1x2048xf32, #tpu.memory_space<vmem>>, %arg10: memref<1x2048xf32, #tpu.memory_space<vmem>>, %arg11: memref<1x1xf32, #tpu.memory_space<vmem>>, %arg12: memref<3x2048xf32, #tpu.memory_space<vmem>>, %arg13: memref<1x2048xf32, #tpu.memory_space<vmem>>, %arg14: memref<353x353xf32, #tpu.memory_space<vmem>>) attributes {dimension_semantics = [#tpu.dimension_semantics<arbitrary>], iteration_bounds = array<i64: 10>, scalar_prefetch = 0 : i64, scratch_operands = 0 : i64, tpu.core_type = #tpu.core_type<tc>, window_params = [{transform_indices = @transform_0, window_bounds = array<i64: 32, 2048>}, {transform_indices = @transform_1, window_bounds = array<i64: 32, 2048>}, {transform_indices = @transform_2, window_bounds = array<i64: 32, 2048>}, {transform_indices = @transform_3, window_bounds = array<i64: 32, 2048>}, {transform_indices = @transform_4, window_bounds = array<i64: 32, 2048>}, {transform_indices = @transform_5, window_bounds = array<i64: 32, 2048>}, {transform_indices = @transform_6, window_bounds = array<i64: 32, 2048>}, {transform_indices = @transform_7, window_bounds = array<i64: 4, 2048>}, {transform_indices = @transform_8, window_bounds = array<i64: 1, 2048>}, {transform_indices = @transform_9, window_bounds = array<i64: 1, 2048>}, {pipeline_mode = #tpu.pipeline_mode<synchronous>, transform_indices = @transform_10, window_bounds = array<i64: 1, 1>}, {transform_indices = @transform_11, window_bounds = array<i64: 3, 2048>}, {transform_indices = @transform_12, window_bounds = array<i64: 1, 2048>}, {pipeline_mode = #tpu.pipeline_mode<synchronous>, transform_indices = @transform_13, window_bounds = array<i64: 353, 353>}]} {
    %get3A = arith.constant 0 : index
    %get3A_0 = arith.constant 0 : index
    %get3A_1 = vector.load %arg8[%get3A, %get3A_0] : memref<4x2048xf32, #tpu.memory_space<vmem>>, vector<4x2048xf32>
    %add3A = arith.constant 1.000000e-01 : f32
    %add3A_2 = arith.constant -5.120000e+01 : f32
    %add3A_3 = arith.addf %add3A, %add3A_2 : f32
    %add3A_4 = arith.constant 4.000000e+00 : f32
    %add3A_5 = arith.constant -5.000000e+00 : f32
    %add3A_6 = arith.addf %add3A_4, %add3A_5 : f32
    %slice3A = vector.extract_strided_slice %get3A_1 {offsets = [3, 0], sizes = [1, 2048], strides = [1, 1]} : vector<4x2048xf32> to vector<1x2048xf32>
    %mul3A = arith.constant 2.000000e-01 : f32
    %mul3A_7 = vector.broadcast %mul3A : f32 to vector<1x2048xf32>
    %mul3A_8 = arith.mulf %slice3A, %mul3A_7 : vector<1x2048xf32>
    %add3A_9 = vector.broadcast %add3A_3 : f32 to vector<1x2048xf32>
    %add3A_10 = arith.addf %mul3A_8, %add3A_9 : vector<1x2048xf32>
    %slice3A_11 = vector.extract_strided_slice %get3A_1 {offsets = [2, 0], sizes = [1, 2048], strides = [1, 1]} : vector<4x2048xf32> to vector<1x2048xf32>
    %mul3A_12 = arith.constant 2.000000e-01 : f32
    %mul3A_13 = vector.broadcast %mul3A_12 : f32 to vector<1x2048xf32>
    %mul3A_14 = arith.mulf %slice3A_11, %mul3A_13 : vector<1x2048xf32>
    %add3A_15 = vector.broadcast %add3A_3 : f32 to vector<1x2048xf32>
    %add3A_16 = arith.addf %mul3A_14, %add3A_15 : vector<1x2048xf32>
    %slice3A_17 = vector.extract_strided_slice %get3A_1 {offsets = [1, 0], sizes = [1, 2048], strides = [1, 1]} : vector<4x2048xf32> to vector<1x2048xf32>
    %mul3A_18 = arith.constant 8.000000e+00 : f32
    %mul3A_19 = vector.broadcast %mul3A_18 : f32 to vector<1x2048xf32>
    %mul3A_20 = arith.mulf %slice3A_17, %mul3A_19 : vector<1x2048xf32>
    %add3A_21 = vector.broadcast %add3A_6 : f32 to vector<1x2048xf32>
    %add3A_22 = arith.addf %mul3A_20, %add3A_21 : vector<1x2048xf32>
    %concatenate3A = tpu.concatenate %add3A_10, %add3A_16, %add3A_22 in 0 : vector<1x2048xf32>, vector<1x2048xf32>, vector<1x2048xf32> -> vector<3x2048xf32>
    %swap3A = arith.constant 0 : index
    %swap3A_23 = arith.constant 0 : index
    %swap3A_24 = vector.load %arg12[%swap3A, %swap3A_23] : memref<3x2048xf32, #tpu.memory_space<vmem>>, vector<3x2048xf32>
    tpu.vector_store %arg12[%swap3A, %swap3A_23], %concatenate3A {strides = array<i32>} : memref<3x2048xf32, #tpu.memory_space<vmem>>, vector<3x2048xf32>,
    %get3A_25 = arith.constant 0 : index
    %get3A_26 = arith.constant 0 : index
    %get3A_27 = vector.load %arg1[%get3A_25, %get3A_26] : memref<32x2048xf32, #tpu.memory_space<vmem>>, vector<32x2048xf32>
    %get3A_28 = arith.constant 0 : index
    %get3A_29 = arith.constant 0 : index
    %get3A_30 = vector.load %arg2[%get3A_28, %get3A_29] : memref<32x2048xf32, #tpu.memory_space<vmem>>, vector<32x2048xf32>
    %get3A_31 = arith.constant 0 : index
    %get3A_32 = arith.constant 0 : index
    %get3A_33 = vector.load %arg3[%get3A_31, %get3A_32] : memref<32x2048xf32, #tpu.memory_space<vmem>>, vector<32x2048xf32>
    %eq3A = arith.constant 0.000000e+00 : f32
    %eq3A_34 = vector.broadcast %eq3A : f32 to vector<32x2048xf32>
    %eq3A_35 = arith.cmpf oeq, %get3A_27, %eq3A_34 : vector<32x2048xf32>
    %eq3A_36 = arith.constant 0.000000e+00 : f32
    %eq3A_37 = vector.broadcast %eq3A_36 : f32 to vector<32x2048xf32>
    %eq3A_38 = arith.cmpf oeq, %get3A_30, %eq3A_37 : vector<32x2048xf32>
    %and3A = arith.andi %eq3A_35, %eq3A_38 : vector<32x2048xi1>
    %eq3A_39 = arith.constant 0.000000e+00 : f32
    %eq3A_40 = vector.broadcast %eq3A_39 : f32 to vector<32x2048xf32>
    %eq3A_41 = arith.cmpf oeq, %get3A_33, %eq3A_40 : vector<32x2048xf32>
    %and3A_42 = arith.andi %and3A, %eq3A_41 : vector<32x2048xi1>
    %broadcast_in_dim3A = vector.shape_cast %add3A_10 : vector<1x2048xf32> to vector<1x2048xf32>
    %broadcast_in_dim3A_43 = vector.broadcast %broadcast_in_dim3A : vector<1x2048xf32> to vector<32x2048xf32>
    %select_n3A = arith.select %and3A_42, %broadcast_in_dim3A_43, %get3A_27 : vector<32x2048xi1>, vector<32x2048xf32>
    %broadcast_in_dim3A_44 = vector.shape_cast %add3A_16 : vector<1x2048xf32> to vector<1x2048xf32>
    %broadcast_in_dim3A_45 = vector.broadcast %broadcast_in_dim3A_44 : vector<1x2048xf32> to vector<32x2048xf32>
    %select_n3A_46 = arith.select %and3A_42, %broadcast_in_dim3A_45, %get3A_30 : vector<32x2048xi1>, vector<32x2048xf32>
    %broadcast_in_dim3A_47 = vector.shape_cast %add3A_22 : vector<1x2048xf32> to vector<1x2048xf32>
    %broadcast_in_dim3A_48 = vector.broadcast %broadcast_in_dim3A_47 : vector<1x2048xf32> to vector<32x2048xf32>
    %select_n3A_49 = arith.select %and3A_42, %broadcast_in_dim3A_48, %get3A_33 : vector<32x2048xi1>, vector<32x2048xf32>
    %sub3A = vector.broadcast %add3A_10 : vector<1x2048xf32> to vector<32x2048xf32>
    %sub3A_50 = arith.subf %select_n3A, %sub3A : vector<32x2048xf32>
    %sub3A_51 = vector.broadcast %add3A_16 : vector<1x2048xf32> to vector<32x2048xf32>
    %sub3A_52 = arith.subf %select_n3A_46, %sub3A_51 : vector<32x2048xf32>
    %sub3A_53 = vector.broadcast %add3A_22 : vector<1x2048xf32> to vector<32x2048xf32>
    %sub3A_54 = arith.subf %select_n3A_49, %sub3A_53 : vector<32x2048xf32>
    %mul3A_55 = arith.mulf %sub3A_50, %sub3A_50 : vector<32x2048xf32>
    %mul3A_56 = arith.mulf %sub3A_52, %sub3A_52 : vector<32x2048xf32>
    %add3A_57 = arith.addf %mul3A_55, %mul3A_56 : vector<32x2048xf32>
    %mul3A_58 = arith.mulf %sub3A_54, %sub3A_54 : vector<32x2048xf32>
    %add3A_59 = arith.addf %add3A_57, %mul3A_58 : vector<32x2048xf32>
    %reduce_min3A = arith.constant dense<0x7F800000> : vector<2048xf32>
    %reduce_min3A_60 = vector.multi_reduction <minimumf>, %add3A_59, %reduce_min3A [0] : vector<32x2048xf32> to vector<2048xf32>
    %broadcast_in_dim3A_61 = vector.shape_cast %reduce_min3A_60 : vector<2048xf32> to vector<1x2048xf32>
    %get3A_62 = arith.constant 0 : index
    %get3A_63 = arith.constant 0 : index
    %get3A_64 = vector.load %arg11[%get3A_62, %get3A_63] : memref<1x1xf32, #tpu.memory_space<vmem>>, vector<1x1xf32>
    %lt3A = vector.broadcast %get3A_64 : vector<1x1xf32> to vector<1x2048xf32>
    %lt3A_65 = arith.cmpf olt, %broadcast_in_dim3A_61, %lt3A : vector<1x2048xf32>
    %convert_element_type3A = arith.extui %lt3A_65 : vector<1x2048xi1> to vector<1x2048xi32>
    %convert_element_type3A_66 = arith.sitofp %convert_element_type3A : vector<1x2048xi32> to vector<1x2048xf32>
    %swap3A_67 = arith.constant 0 : index
    %swap3A_68 = arith.constant 0 : index
    %swap3A_69 = vector.load %arg13[%swap3A_67, %swap3A_68] : memref<1x2048xf32, #tpu.memory_space<vmem>>, vector<1x2048xf32>
    tpu.vector_store %arg13[%swap3A_67, %swap3A_68], %convert_element_type3A_66 {strides = array<i32>} : memref<1x2048xf32, #tpu.memory_space<vmem>>, vector<1x2048xf32>,
    %reduce_sum3A = arith.constant dense<0.000000e+00> : vector<2048xf32>
    %reduce_sum3A_70 = vector.multi_reduction <add>, %select_n3A, %reduce_sum3A [0] : vector<32x2048xf32> to vector<2048xf32>
    %broadcast_in_dim3A_71 = vector.shape_cast %reduce_sum3A_70 : vector<2048xf32> to vector<1x2048xf32>
    %div3A = arith.constant 3.200000e+01 : f32
    %div3A_72 = vector.broadcast %div3A : f32 to vector<1x2048xf32>
    %div3A_73 = arith.divf %broadcast_in_dim3A_71, %div3A_72 : vector<1x2048xf32>
    %reduce_sum3A_74 = arith.constant dense<0.000000e+00> : vector<2048xf32>
    %reduce_sum3A_75 = vector.multi_reduction <add>, %select_n3A_46, %reduce_sum3A_74 [0] : vector<32x2048xf32> to vector<2048xf32>
    %broadcast_in_dim3A_76 = vector.shape_cast %reduce_sum3A_75 : vector<2048xf32> to vector<1x2048xf32>
    %div3A_77 = arith.constant 3.200000e+01 : f32
    %div3A_78 = vector.broadcast %div3A_77 : f32 to vector<1x2048xf32>
    %div3A_79 = arith.divf %broadcast_in_dim3A_76, %div3A_78 : vector<1x2048xf32>
    %sub3A_80 = vector.broadcast %div3A_73 : vector<1x2048xf32> to vector<32x2048xf32>
    %sub3A_81 = arith.subf %select_n3A, %sub3A_80 : vector<32x2048xf32>
    %sub3A_82 = vector.broadcast %div3A_79 : vector<1x2048xf32> to vector<32x2048xf32>
    %sub3A_83 = arith.subf %select_n3A_46, %sub3A_82 : vector<32x2048xf32>
    %broadcast_in_dim3A_84 = arith.constant 1.000000e+00 : f32
    %broadcast_in_dim3A_85 = vector.broadcast %broadcast_in_dim3A_84 : f32 to vector<1x2048xf32>
    %get3A_86 = arith.constant 0 : index
    %get3A_87 = arith.constant 0 : index
    %get3A_88 = vector.load %arg4[%get3A_86, %get3A_87] : memref<32x2048xf32, #tpu.memory_space<vmem>>, vector<32x2048xf32>
    %get3A_89 = arith.constant 0 : index
    %get3A_90 = arith.constant 0 : index
    %get3A_91 = vector.load %arg5[%get3A_89, %get3A_90] : memref<32x2048xf32, #tpu.memory_space<vmem>>, vector<32x2048xf32>
    %get3A_92 = arith.constant 0 : index
    %get3A_93 = arith.constant 0 : index
    %get3A_94 = vector.load %arg6[%get3A_92, %get3A_93] : memref<32x2048xf32, #tpu.memory_space<vmem>>, vector<32x2048xf32>
    %get3A_95 = arith.constant 0 : index
    %get3A_96 = arith.constant 0 : index
    %get3A_97 = vector.load %arg7[%get3A_95, %get3A_96] : memref<32x2048xf32, #tpu.memory_space<vmem>>, vector<32x2048xf32>
    %broadcast_in_dim3A_98 = vector.shape_cast %div3A_73 : vector<1x2048xf32> to vector<1x2048xf32>
    %broadcast_in_dim3A_99 = vector.broadcast %broadcast_in_dim3A_98 : vector<1x2048xf32> to vector<32x2048xf32>
    %broadcast_in_dim3A_100 = vector.shape_cast %div3A_79 : vector<1x2048xf32> to vector<1x2048xf32>
    %broadcast_in_dim3A_101 = vector.broadcast %broadcast_in_dim3A_100 : vector<1x2048xf32> to vector<32x2048xf32>
    %get3A_102 = arith.constant 0 : index
    %get3A_103 = arith.constant 0 : index
    %get3A_104 = vector.load %arg9[%get3A_102, %get3A_103] : memref<1x2048xf32, #tpu.memory_space<vmem>>, vector<1x2048xf32>
    %broadcast_in_dim3A_105 = vector.shape_cast %get3A_104 : vector<1x2048xf32> to vector<1x2048xf32>
    %broadcast_in_dim3A_106 = vector.broadcast %broadcast_in_dim3A_105 : vector<1x2048xf32> to vector<32x2048xf32>
    %concatenate3A_107 = tpu.concatenate %broadcast_in_dim3A_85, %get3A_88, %get3A_91, %get3A_94, %get3A_97, %sub3A_50, %sub3A_52, %sub3A_81, %sub3A_83, %broadcast_in_dim3A_99, %broadcast_in_dim3A_101, %broadcast_in_dim3A_106 in 0 : vector<1x2048xf32>, vector<32x2048xf32>, vector<32x2048xf32>, vector<32x2048xf32>, vector<32x2048xf32>, vector<32x2048xf32>, vector<32x2048xf32>, vector<32x2048xf32>, vector<32x2048xf32>, vector<32x2048xf32>, vector<32x2048xf32>, vector<32x2048xf32> -> vector<353x2048xf32>
    %get3A_108 = arith.constant 0 : index
    %get3A_109 = arith.constant 0 : index
    %get3A_110 = vector.load %arg10[%get3A_108, %get3A_109] : memref<1x2048xf32, #tpu.memory_space<vmem>>, vector<1x2048xf32>
    %mul3A_111 = vector.broadcast %get3A_110 : vector<1x2048xf32> to vector<353x2048xf32>
    %mul3A_112 = arith.mulf %concatenate3A_107, %mul3A_111 : vector<353x2048xf32>
    %dot_general3A = arith.constant dense<0.000000e+00> : vector<353x353xf32>
    %dot_general3A_113 = tpu.matmul %mul3A_112, %mul3A_112, %dot_general3A {dimension_numbers = #tpu.dot_dimension_numbers<[1], [1], [0], [0], [0, 0, 1, 0], [], []>, precision = #tpu.contract_precision<fp32>, transpose_lhs_hint = false} : vector<353x2048xf32>, vector<353x2048xf32>, vector<353x353xf32> -> vector<353x353xf32>
    %eq3A_114 = arith.constant 0 : i32
    %eq3A_115 = arith.cmpi eq, %arg0, %eq3A_114 : i32
    %convert_element_type3A_116 = arith.extui %eq3A_115 : i1 to i32
    %cond3A = arith.constant 0 : i32
    %cond3A_117 = arith.cmpi ne, %convert_element_type3A_116, %cond3A : i32
    scf.if %cond3A_117 {
      %swap3A_122 = arith.constant 0 : index
      %swap3A_123 = arith.constant 0 : index
      %swap3A_124 = vector.load %arg14[%swap3A_122, %swap3A_123] : memref<353x353xf32, #tpu.memory_space<vmem>>, vector<353x353xf32>
      tpu.vector_store %arg14[%swap3A_122, %swap3A_123], %dot_general3A_113 {strides = array<i32>} : memref<353x353xf32, #tpu.memory_space<vmem>>, vector<353x353xf32>,
    } else {
    }
    %gt3A = arith.constant 0 : i32
    %gt3A_118 = arith.cmpi sgt, %arg0, %gt3A : i32
    %convert_element_type3A_119 = arith.extui %gt3A_118 : i1 to i32
    %cond3A_120 = arith.constant 0 : i32
    %cond3A_121 = arith.cmpi ne, %convert_element_type3A_119, %cond3A_120 : i32
    scf.if %cond3A_121 {
      %get3A_122 = arith.constant 0 : index
      %get3A_123 = arith.constant 0 : index
      %get3A_124 = vector.load %arg14[%get3A_122, %get3A_123] : memref<353x353xf32, #tpu.memory_space<vmem>>, vector<353x353xf32>
      %add3A_125 = arith.addf %get3A_124, %dot_general3A_113 : vector<353x353xf32>
      %swap3A_126 = arith.constant 0 : index
      %swap3A_127 = arith.constant 0 : index
      %swap3A_128 = vector.load %arg14[%swap3A_126, %swap3A_127] : memref<353x353xf32, #tpu.memory_space<vmem>>, vector<353x353xf32>
      tpu.vector_store %arg14[%swap3A_126, %swap3A_127], %add3A_125 {strides = array<i32>} : memref<353x353xf32, #tpu.memory_space<vmem>>, vector<353x353xf32>,
    } else {
    }
    return
  }
  func.func @transform_0(%arg0: i32) -> (i32, i32) {
    %c0_i32 = arith.constant 0 : i32
    %c0_i32_0 = arith.constant 0 : i32
    return %c0_i32, %arg0 : i32, i32
  }
  func.func @transform_1(%arg0: i32) -> (i32, i32) {
    %c0_i32 = arith.constant 0 : i32
    %c0_i32_0 = arith.constant 0 : i32
    return %c0_i32, %arg0 : i32, i32
  }
  func.func @transform_2(%arg0: i32) -> (i32, i32) {
    %c0_i32 = arith.constant 0 : i32
    %c0_i32_0 = arith.constant 0 : i32
    return %c0_i32, %arg0 : i32, i32
  }
  func.func @transform_3(%arg0: i32) -> (i32, i32) {
    %c0_i32 = arith.constant 0 : i32
    %c0_i32_0 = arith.constant 0 : i32
    return %c0_i32, %arg0 : i32, i32
  }
  func.func @transform_4(%arg0: i32) -> (i32, i32) {
    %c0_i32 = arith.constant 0 : i32
    %c0_i32_0 = arith.constant 0 : i32
    return %c0_i32, %arg0 : i32, i32
  }
  func.func @transform_5(%arg0: i32) -> (i32, i32) {
    %c0_i32 = arith.constant 0 : i32
    %c0_i32_0 = arith.constant 0 : i32
    return %c0_i32, %arg0 : i32, i32
  }
  func.func @transform_6(%arg0: i32) -> (i32, i32) {
    %c0_i32 = arith.constant 0 : i32
    %c0_i32_0 = arith.constant 0 : i32
    return %c0_i32, %arg0 : i32, i32
  }
  func.func @transform_7(%arg0: i32) -> (i32, i32) {
    %c0_i32 = arith.constant 0 : i32
    %c0_i32_0 = arith.constant 0 : i32
    return %c0_i32, %arg0 : i32, i32
  }
  func.func @transform_8(%arg0: i32) -> (i32, i32) {
    %c0_i32 = arith.constant 0 : i32
    %c0_i32_0 = arith.constant 0 : i32
    return %c0_i32, %arg0 : i32, i32
  }
  func.func @transform_9(%arg0: i32) -> (i32, i32) {
    %c0_i32 = arith.constant 0 : i32
    %c0_i32_0 = arith.constant 0 : i32
    return %c0_i32, %arg0 : i32, i32
  }
  func.func @transform_10(%arg0: i32) -> (i32, i32) {
    %c0_i32 = arith.constant 0 : i32
    %c0_i32_0 = arith.constant 0 : i32
    %c0_i32_1 = arith.constant 0 : i32
    return %c0_i32, %c0_i32_0 : i32, i32
  }
  func.func @transform_11(%arg0: i32) -> (i32, i32) {
    %c0_i32 = arith.constant 0 : i32
    %c0_i32_0 = arith.constant 0 : i32
    return %c0_i32, %arg0 : i32, i32
  }
  func.func @transform_12(%arg0: i32) -> (i32, i32) {
    %c0_i32 = arith.constant 0 : i32
    %c0_i32_0 = arith.constant 0 : i32
    return %c0_i32, %arg0 : i32, i32
  }
  func.func @transform_13(%arg0: i32) -> (i32, i32) {
    %c0_i32 = arith.constant 0 : i32
    %c0_i32_0 = arith.constant 0 : i32
    %c0_i32_1 = arith.constant 0 : i32
    return %c0_i32, %c0_i32_0 : i32, i32
  }
}

module attributes {stable_mosaic.version = 14 : i64} {
  func.func @_p2_body(%arg0: i32, %arg1: memref<100xi32, #tpu.memory_space<smem>>, %arg2: memref<200x32x7xf32, #tpu.memory_space<vmem>>, %arg3: memref<200x4xi32, #tpu.memory_space<vmem>>, %arg4: memref<200x1xf32, #tpu.memory_space<vmem>>, %arg5: memref<11x64xf32, #tpu.memory_space<vmem>>, %arg6: memref<1x64xf32, #tpu.memory_space<vmem>>, %arg7: memref<1x64xf32, #tpu.memory_space<vmem>>, %arg8: memref<1x64xf32, #tpu.memory_space<vmem>>, %arg9: memref<1x15xf32, #tpu.memory_space<vmem>>, %arg10: memref<1x15xf32, #tpu.memory_space<vmem>>, %arg11: memref<1x15xf32, #tpu.memory_space<vmem>>, %arg12: memref<960x64xf32, #tpu.memory_space<vmem>>, %arg13: memref<200x64xf32, #tpu.memory_space<vmem>>, %arg14: memref<1x64xf32, #tpu.memory_space<vmem>>, %arg15: memref<1x64xf32, #tpu.memory_space<vmem>>) attributes {dimension_semantics = [#tpu.dimension_semantics<arbitrary>], iteration_bounds = array<i64: 100>, scalar_prefetch = 1 : i64, scratch_operands = 0 : i64, tpu.core_type = #tpu.core_type<tc>, window_params = [{transform_indices = @transform_0, window_bounds = array<i64: 200, 32, 7>}, {transform_indices = @transform_1, window_bounds = array<i64: 200, 4>}, {transform_indices = @transform_2, window_bounds = array<i64: 200, 1>}, {pipeline_mode = #tpu.pipeline_mode<synchronous>, transform_indices = @transform_3, window_bounds = array<i64: 11, 64>}, {pipeline_mode = #tpu.pipeline_mode<synchronous>, transform_indices = @transform_4, window_bounds = array<i64: 1, 64>}, {pipeline_mode = #tpu.pipeline_mode<synchronous>, transform_indices = @transform_5, window_bounds = array<i64: 1, 64>}, {pipeline_mode = #tpu.pipeline_mode<synchronous>, transform_indices = @transform_6, window_bounds = array<i64: 1, 64>}, {pipeline_mode = #tpu.pipeline_mode<synchronous>, transform_indices = @transform_7, window_bounds = array<i64: 1, 15>}, {pipeline_mode = #tpu.pipeline_mode<synchronous>, transform_indices = @transform_8, window_bounds = array<i64: 1, 15>}, {pipeline_mode = #tpu.pipeline_mode<synchronous>, transform_indices = @transform_9, window_bounds = array<i64: 1, 15>}, {pipeline_mode = #tpu.pipeline_mode<synchronous>, transform_indices = @transform_10, window_bounds = array<i64: 960, 64>}, {transform_indices = @transform_11, window_bounds = array<i64: 200, 64>}, {pipeline_mode = #tpu.pipeline_mode<synchronous>, transform_indices = @transform_12, window_bounds = array<i64: 1, 64>}, {pipeline_mode = #tpu.pipeline_mode<synchronous>, transform_indices = @transform_13, window_bounds = array<i64: 1, 64>}]} {
    %get3A = arith.index_cast %arg0 : i32 to index
    %get3A_0 = memref.load %arg1[%get3A] : memref<100xi32, #tpu.memory_space<smem>>
    %eq3A = arith.constant 0 : i32
    %eq3A_1 = arith.cmpi eq, %arg0, %eq3A : i32
    %convert_element_type3A = arith.extui %eq3A_1 : i1 to i32
    %cond3A = arith.constant 0 : i32
    %cond3A_2 = arith.cmpi ne, %convert_element_type3A, %cond3A : i32
    scf.if %cond3A_2 {
      %broadcast_in_dim3A = arith.constant 0.000000e+00 : f32
      %broadcast_in_dim3A_11 = vector.broadcast %broadcast_in_dim3A : f32 to vector<1x64xf32>
      %swap3A = arith.constant 0 : index
      %swap3A_12 = arith.constant 0 : index
      %swap3A_13 = vector.load %arg14[%swap3A, %swap3A_12] : memref<1x64xf32, #tpu.memory_space<vmem>>, vector<1x64xf32>
      tpu.vector_store %arg14[%swap3A, %swap3A_12], %broadcast_in_dim3A_11 {strides = array<i32>} : memref<1x64xf32, #tpu.memory_space<vmem>>, vector<1x64xf32>,
      %broadcast_in_dim3A_14 = arith.constant 0.000000e+00 : f32
      %broadcast_in_dim3A_15 = vector.broadcast %broadcast_in_dim3A_14 : f32 to vector<1x64xf32>
      %swap3A_16 = arith.constant 0 : index
      %swap3A_17 = arith.constant 0 : index
      %swap3A_18 = vector.load %arg15[%swap3A_16, %swap3A_17] : memref<1x64xf32, #tpu.memory_space<vmem>>, vector<1x64xf32>
      tpu.vector_store %arg15[%swap3A_16, %swap3A_17], %broadcast_in_dim3A_15 {strides = array<i32>} : memref<1x64xf32, #tpu.memory_space<vmem>>, vector<1x64xf32>,
    } else {
    }
    %gt3A = arith.constant 0 : i32
    %gt3A_3 = arith.cmpi sgt, %get3A_0, %gt3A : i32
    %convert_element_type3A_4 = arith.extui %gt3A_3 : i1 to i32
    %cond3A_5 = arith.constant 0 : i32
    %cond3A_6 = arith.cmpi ne, %convert_element_type3A_4, %cond3A_5 : i32
    scf.if %cond3A_6 {
      %get3A_11 = arith.constant 0 : index
      %get3A_12 = arith.constant 0 : index
      %get3A_13 = vector.load %arg3[%get3A_11, %get3A_12] : memref<200x4xi32, #tpu.memory_space<vmem>>, vector<200x4xi32>
      %convert_element_type3A_14 = arith.sitofp %get3A_13 : vector<200x4xi32> to vector<200x4xf32>
      %get3A_15 = arith.constant 0 : index
      %get3A_16 = arith.constant 0 : index
      %get3A_17 = arith.constant 0 : index
      %get3A_18 = vector.load %arg2[%get3A_15, %get3A_16, %get3A_17] : memref<200x32x7xf32, #tpu.memory_space<vmem>>, vector<200x32x7xf32>
      %get3A_19 = arith.constant 0 : index
      %get3A_20 = arith.constant 0 : index
      %get3A_21 = vector.load %arg4[%get3A_19, %get3A_20] : memref<200x1xf32, #tpu.memory_space<vmem>>, vector<200x1xf32>
      %add3A = arith.constant 1.000000e-01 : f32
      %add3A_22 = arith.constant -5.120000e+01 : f32
      %add3A_23 = arith.addf %add3A, %add3A_22 : f32
      %add3A_24 = arith.constant 4.000000e+00 : f32
      %add3A_25 = arith.constant -5.000000e+00 : f32
      %add3A_26 = arith.addf %add3A_24, %add3A_25 : f32
      %slice3A = vector.extract_strided_slice %convert_element_type3A_14 {offsets = [0, 3], sizes = [200, 1], strides = [1, 1]} : vector<200x4xf32> to vector<200x1xf32>
      %mul3A = arith.constant 2.000000e-01 : f32
      %mul3A_27 = vector.broadcast %mul3A : f32 to vector<200x1xf32>
      %mul3A_28 = arith.mulf %slice3A, %mul3A_27 : vector<200x1xf32>
      %add3A_29 = vector.broadcast %add3A_23 : f32 to vector<200x1xf32>
      %add3A_30 = arith.addf %mul3A_28, %add3A_29 : vector<200x1xf32>
      %slice3A_31 = vector.extract_strided_slice %convert_element_type3A_14 {offsets = [0, 2], sizes = [200, 1], strides = [1, 1]} : vector<200x4xf32> to vector<200x1xf32>
      %mul3A_32 = arith.constant 2.000000e-01 : f32
      %mul3A_33 = vector.broadcast %mul3A_32 : f32 to vector<200x1xf32>
      %mul3A_34 = arith.mulf %slice3A_31, %mul3A_33 : vector<200x1xf32>
      %add3A_35 = vector.broadcast %add3A_23 : f32 to vector<200x1xf32>
      %add3A_36 = arith.addf %mul3A_34, %add3A_35 : vector<200x1xf32>
      %slice3A_37 = vector.extract_strided_slice %convert_element_type3A_14 {offsets = [0, 1], sizes = [200, 1], strides = [1, 1]} : vector<200x4xf32> to vector<200x1xf32>
      %mul3A_38 = arith.constant 8.000000e+00 : f32
      %mul3A_39 = vector.broadcast %mul3A_38 : f32 to vector<200x1xf32>
      %mul3A_40 = arith.mulf %slice3A_37, %mul3A_39 : vector<200x1xf32>
      %add3A_41 = vector.broadcast %add3A_26 : f32 to vector<200x1xf32>
      %add3A_42 = arith.addf %mul3A_40, %add3A_41 : vector<200x1xf32>
      %concatenate3A = tpu.concatenate %add3A_30, %add3A_36, %add3A_42 in 1 : vector<200x1xf32>, vector<200x1xf32>, vector<200x1xf32> -> vector<200x3xf32>
      %slice3A_43 = vector.extract_strided_slice %get3A_18 {offsets = [0, 0, 0], sizes = [200, 32, 3], strides = [1, 1, 1]} : vector<200x32x7xf32> to vector<200x32x3xf32>
      %slice3A_44 = vector.extract_strided_slice %get3A_18 {offsets = [0, 0, 0], sizes = [200, 32, 1], strides = [1, 1, 1]} : vector<200x32x7xf32> to vector<200x32x1xf32>
      %eq3A_45 = arith.constant 0.000000e+00 : f32
      %eq3A_46 = vector.broadcast %eq3A_45 : f32 to vector<200x32x1xf32>
      %eq3A_47 = arith.cmpf oeq, %slice3A_44, %eq3A_46 : vector<200x32x1xf32>
      %slice3A_48 = vector.extract_strided_slice %get3A_18 {offsets = [0, 0, 1], sizes = [200, 32, 1], strides = [1, 1, 1]} : vector<200x32x7xf32> to vector<200x32x1xf32>
      %eq3A_49 = arith.constant 0.000000e+00 : f32
      %eq3A_50 = vector.broadcast %eq3A_49 : f32 to vector<200x32x1xf32>
      %eq3A_51 = arith.cmpf oeq, %slice3A_48, %eq3A_50 : vector<200x32x1xf32>
      %and3A = arith.andi %eq3A_47, %eq3A_51 : vector<200x32x1xi1>
      %slice3A_52 = vector.extract_strided_slice %get3A_18 {offsets = [0, 0, 2], sizes = [200, 32, 1], strides = [1, 1, 1]} : vector<200x32x7xf32> to vector<200x32x1xf32>
      %eq3A_53 = arith.constant 0.000000e+00 : f32
      %eq3A_54 = vector.broadcast %eq3A_53 : f32 to vector<200x32x1xf32>
      %eq3A_55 = arith.cmpf oeq, %slice3A_52, %eq3A_54 : vector<200x32x1xf32>
      %and3A_56 = arith.andi %and3A, %eq3A_55 : vector<200x32x1xi1>
      %broadcast_in_dim3A = vector.shape_cast %concatenate3A : vector<200x3xf32> to vector<200x1x3xf32>
      %broadcast_in_dim3A_57 = vector.shape_cast %and3A_56 : vector<200x32x1xi1> to vector<200x32x1xi1>
      %broadcast_in_dim3A_58 = vector.broadcast %broadcast_in_dim3A_57 : vector<200x32x1xi1> to vector<200x32x3xi1>
      %broadcast_in_dim3A_59 = vector.shape_cast %broadcast_in_dim3A : vector<200x1x3xf32> to vector<200x1x3xf32>
      %broadcast_in_dim3A_60 = vector.broadcast %broadcast_in_dim3A_59 : vector<200x1x3xf32> to vector<200x32x3xf32>
      %select_n3A = arith.select %broadcast_in_dim3A_58, %broadcast_in_dim3A_60, %slice3A_43 : vector<200x32x3xi1>, vector<200x32x3xf32>
      %slice3A_61 = vector.extract_strided_slice %get3A_18 {offsets = [0, 0, 3], sizes = [200, 32, 4], strides = [1, 1, 1]} : vector<200x32x7xf32> to vector<200x32x4xf32>
      %broadcast_in_dim3A_62 = vector.shape_cast %concatenate3A : vector<200x3xf32> to vector<200x1x3xf32>
      %sub3A = vector.broadcast %broadcast_in_dim3A_62 : vector<200x1x3xf32> to vector<200x32x3xf32>
      %sub3A_63 = arith.subf %select_n3A, %sub3A : vector<200x32x3xf32>
      %reduce_sum3A = arith.constant dense<0.000000e+00> : vector<200x3xf32>
      %reduce_sum3A_64 = vector.multi_reduction <add>, %select_n3A, %reduce_sum3A [1] : vector<200x32x3xf32> to vector<200x3xf32>
      %broadcast_in_dim3A_65 = vector.shape_cast %reduce_sum3A_64 : vector<200x3xf32> to vector<200x1x3xf32>
      %div3A = arith.constant 3.200000e+01 : f32
      %div3A_66 = vector.broadcast %div3A : f32 to vector<200x1x3xf32>
      %div3A_67 = arith.divf %broadcast_in_dim3A_65, %div3A_66 : vector<200x1x3xf32>
      %sub3A_68 = vector.broadcast %div3A_67 : vector<200x1x3xf32> to vector<200x32x3xf32>
      %sub3A_69 = arith.subf %select_n3A, %sub3A_68 : vector<200x32x3xf32>
      %broadcast_in_dim3A_70 = vector.shape_cast %div3A_67 : vector<200x1x3xf32> to vector<200x1x3xf32>
      %broadcast_in_dim3A_71 = vector.broadcast %broadcast_in_dim3A_70 : vector<200x1x3xf32> to vector<200x32x3xf32>
      %broadcast_in_dim3A_72 = vector.shape_cast %get3A_21 : vector<200x1xf32> to vector<200x1x1xf32>
      %broadcast_in_dim3A_73 = vector.shape_cast %broadcast_in_dim3A_72 : vector<200x1x1xf32> to vector<200x1x1xf32>
      %broadcast_in_dim3A_74 = vector.broadcast %broadcast_in_dim3A_73 : vector<200x1x1xf32> to vector<200x32x1xf32>
      %slice3A_75 = vector.extract_strided_slice %sub3A_63 {offsets = [0, 0, 0], sizes = [200, 32, 2], strides = [1, 1, 1]} : vector<200x32x3xf32> to vector<200x32x2xf32>
      %slice3A_76 = vector.extract_strided_slice %sub3A_69 {offsets = [0, 0, 0], sizes = [200, 32, 2], strides = [1, 1, 1]} : vector<200x32x3xf32> to vector<200x32x2xf32>
      %slice3A_77 = vector.extract_strided_slice %broadcast_in_dim3A_71 {offsets = [0, 0, 0], sizes = [200, 32, 2], strides = [1, 1, 1]} : vector<200x32x3xf32> to vector<200x32x2xf32>
      %concatenate3A_78 = tpu.concatenate %slice3A_61, %slice3A_75, %slice3A_76, %slice3A_77, %broadcast_in_dim3A_74 in 2 : vector<200x32x4xf32>, vector<200x32x2xf32>, vector<200x32x2xf32>, vector<200x32x2xf32>, vector<200x32x1xf32> -> vector<200x32x11xf32>
      %reshape3A = vector.shape_cast %concatenate3A_78 : vector<200x32x11xf32> to vector<6400x11xf32>
      %get3A_79 = arith.constant 0 : index
      %get3A_80 = arith.constant 0 : index
      %get3A_81 = vector.load %arg5[%get3A_79, %get3A_80] : memref<11x64xf32, #tpu.memory_space<vmem>>, vector<11x64xf32>
      %dot_general3A = arith.constant dense<0.000000e+00> : vector<6400x64xf32>
      %dot_general3A_82 = tpu.matmul %reshape3A, %get3A_81, %dot_general3A {dimension_numbers = #tpu.dot_dimension_numbers<[1], [0], [0], [1], [0, 0, 1, 1], [], []>, precision = #tpu.contract_precision<fp32>, transpose_lhs_hint = false} : vector<6400x11xf32>, vector<11x64xf32>, vector<6400x64xf32> -> vector<6400x64xf32>
      %get3A_83 = arith.constant 0 : index
      %get3A_84 = arith.constant 0 : index
      %get3A_85 = vector.load %arg6[%get3A_83, %get3A_84] : memref<1x64xf32, #tpu.memory_space<vmem>>, vector<1x64xf32>
      %add3A_86 = vector.broadcast %get3A_85 : vector<1x64xf32> to vector<6400x64xf32>
      %add3A_87 = arith.addf %dot_general3A_82, %add3A_86 : vector<6400x64xf32>
      %get3A_88 = arith.constant 0 : index
      %get3A_89 = arith.constant 0 : index
      %get3A_90 = vector.load %arg7[%get3A_88, %get3A_89] : memref<1x64xf32, #tpu.memory_space<vmem>>, vector<1x64xf32>
      %mul3A_91 = vector.broadcast %get3A_90 : vector<1x64xf32> to vector<6400x64xf32>
      %mul3A_92 = arith.mulf %add3A_87, %mul3A_91 : vector<6400x64xf32>
      %get3A_93 = arith.constant 0 : index
      %get3A_94 = arith.constant 0 : index
      %get3A_95 = vector.load %arg8[%get3A_93, %get3A_94] : memref<1x64xf32, #tpu.memory_space<vmem>>, vector<1x64xf32>
      %add3A_96 = vector.broadcast %get3A_95 : vector<1x64xf32> to vector<6400x64xf32>
      %add3A_97 = arith.addf %mul3A_92, %add3A_96 : vector<6400x64xf32>
      %max3A = arith.constant 0.000000e+00 : f32
      %max3A_98 = vector.broadcast %max3A : f32 to vector<6400x64xf32>
      %max3A_99 = arith.maximumf %add3A_97, %max3A_98 : vector<6400x64xf32>
      %broadcast_in_dim3A_100 = vector.shape_cast %concatenate3A : vector<200x3xf32> to vector<200x1x3xf32>
      %sub3A_101 = vector.broadcast %broadcast_in_dim3A_100 : vector<200x1x3xf32> to vector<200x32x3xf32>
      %sub3A_102 = arith.subf %select_n3A, %sub3A_101 : vector<200x32x3xf32>
      %reshape3A_103 = vector.shape_cast %sub3A_102 : vector<200x32x3xf32> to vector<6400x3xf32>
      %slice3A_104 = vector.extract_strided_slice %reshape3A_103 {offsets = [0, 0], sizes = [6400, 1], strides = [1, 1]} : vector<6400x3xf32> to vector<6400x1xf32>
      %get3A_105 = arith.constant 0 : index
      %get3A_106 = arith.constant 0 : index
      %get3A_107 = vector.load %arg9[%get3A_105, %get3A_106] : memref<1x15xf32, #tpu.memory_space<vmem>>, vector<1x15xf32>
      %sub3A_108 = vector.broadcast %slice3A_104 : vector<6400x1xf32> to vector<6400x15xf32>
      %sub3A_109 = vector.broadcast %get3A_107 : vector<1x15xf32> to vector<6400x15xf32>
      %sub3A_110 = arith.subf %sub3A_108, %sub3A_109 : vector<6400x15xf32>
      %slice3A_111 = vector.extract_strided_slice %reshape3A_103 {offsets = [0, 1], sizes = [6400, 1], strides = [1, 1]} : vector<6400x3xf32> to vector<6400x1xf32>
      %get3A_112 = arith.constant 0 : index
      %get3A_113 = arith.constant 0 : index
      %get3A_114 = vector.load %arg10[%get3A_112, %get3A_113] : memref<1x15xf32, #tpu.memory_space<vmem>>, vector<1x15xf32>
      %sub3A_115 = vector.broadcast %slice3A_111 : vector<6400x1xf32> to vector<6400x15xf32>
      %sub3A_116 = vector.broadcast %get3A_114 : vector<1x15xf32> to vector<6400x15xf32>
      %sub3A_117 = arith.subf %sub3A_115, %sub3A_116 : vector<6400x15xf32>
      %slice3A_118 = vector.extract_strided_slice %reshape3A_103 {offsets = [0, 2], sizes = [6400, 1], strides = [1, 1]} : vector<6400x3xf32> to vector<6400x1xf32>
      %get3A_119 = arith.constant 0 : index
      %get3A_120 = arith.constant 0 : index
      %get3A_121 = vector.load %arg11[%get3A_119, %get3A_120] : memref<1x15xf32, #tpu.memory_space<vmem>>, vector<1x15xf32>
      %sub3A_122 = vector.broadcast %slice3A_118 : vector<6400x1xf32> to vector<6400x15xf32>
      %sub3A_123 = vector.broadcast %get3A_121 : vector<1x15xf32> to vector<6400x15xf32>
      %sub3A_124 = arith.subf %sub3A_122, %sub3A_123 : vector<6400x15xf32>
      %mul3A_125 = arith.mulf %sub3A_110, %sub3A_110 : vector<6400x15xf32>
      %mul3A_126 = arith.mulf %sub3A_117, %sub3A_117 : vector<6400x15xf32>
      %add3A_127 = arith.addf %mul3A_125, %mul3A_126 : vector<6400x15xf32>
      %mul3A_128 = arith.mulf %sub3A_124, %sub3A_124 : vector<6400x15xf32>
      %add3A_129 = arith.addf %add3A_127, %mul3A_128 : vector<6400x15xf32>
      %sqrt3A = math.sqrt %add3A_129 : vector<6400x15xf32>
      %mul3A_130 = arith.constant 3.33333325 : f32
      %mul3A_131 = vector.broadcast %mul3A_130 : f32 to vector<6400x15xf32>
      %mul3A_132 = arith.mulf %sqrt3A, %mul3A_131 : vector<6400x15xf32>
      %sub3A_133 = arith.constant 1.000000e+00 : f32
      %sub3A_134 = vector.broadcast %sub3A_133 : f32 to vector<6400x15xf32>
      %sub3A_135 = arith.subf %sub3A_134, %mul3A_132 : vector<6400x15xf32>
      %max3A_136 = arith.constant 0.000000e+00 : f32
      %max3A_137 = vector.broadcast %max3A_136 : f32 to vector<6400x15xf32>
      %max3A_138 = arith.maximumf %sub3A_135, %max3A_137 : vector<6400x15xf32>
      %reshape3A_139 = vector.shape_cast %max3A_99 : vector<6400x64xf32> to vector<200x32x64xf32>
      %reshape3A_140 = vector.shape_cast %max3A_138 : vector<6400x15xf32> to vector<200x32x15xf32>
      %slice3A_141 = vector.extract_strided_slice %reshape3A_140 {offsets = [0, 0, 0], sizes = [200, 32, 1], strides = [1, 1, 1]} : vector<200x32x15xf32> to vector<200x32x1xf32>
      %mul3A_142 = vector.broadcast %slice3A_141 : vector<200x32x1xf32> to vector<200x32x64xf32>
      %mul3A_143 = arith.mulf %mul3A_142, %reshape3A_139 : vector<200x32x64xf32>
      %reduce_sum3A_144 = arith.constant dense<0.000000e+00> : vector<200x64xf32>
      %reduce_sum3A_145 = vector.multi_reduction <add>, %mul3A_143, %reduce_sum3A_144 [1] : vector<200x32x64xf32> to vector<200x64xf32>
      %slice3A_146 = vector.extract_strided_slice %reshape3A_140 {offsets = [0, 0, 1], sizes = [200, 32, 1], strides = [1, 1, 1]} : vector<200x32x15xf32> to vector<200x32x1xf32>
      %mul3A_147 = vector.broadcast %slice3A_146 : vector<200x32x1xf32> to vector<200x32x64xf32>
      %mul3A_148 = arith.mulf %mul3A_147, %reshape3A_139 : vector<200x32x64xf32>
      %reduce_sum3A_149 = arith.constant dense<0.000000e+00> : vector<200x64xf32>
      %reduce_sum3A_150 = vector.multi_reduction <add>, %mul3A_148, %reduce_sum3A_149 [1] : vector<200x32x64xf32> to vector<200x64xf32>
      %slice3A_151 = vector.extract_strided_slice %reshape3A_140 {offsets = [0, 0, 2], sizes = [200, 32, 1], strides = [1, 1, 1]} : vector<200x32x15xf32> to vector<200x32x1xf32>
      %mul3A_152 = vector.broadcast %slice3A_151 : vector<200x32x1xf32> to vector<200x32x64xf32>
      %mul3A_153 = arith.mulf %mul3A_152, %reshape3A_139 : vector<200x32x64xf32>
      %reduce_sum3A_154 = arith.constant dense<0.000000e+00> : vector<200x64xf32>
      %reduce_sum3A_155 = vector.multi_reduction <add>, %mul3A_153, %reduce_sum3A_154 [1] : vector<200x32x64xf32> to vector<200x64xf32>
      %slice3A_156 = vector.extract_strided_slice %reshape3A_140 {offsets = [0, 0, 3], sizes = [200, 32, 1], strides = [1, 1, 1]} : vector<200x32x15xf32> to vector<200x32x1xf32>
      %mul3A_157 = vector.broadcast %slice3A_156 : vector<200x32x1xf32> to vector<200x32x64xf32>
      %mul3A_158 = arith.mulf %mul3A_157, %reshape3A_139 : vector<200x32x64xf32>
      %reduce_sum3A_159 = arith.constant dense<0.000000e+00> : vector<200x64xf32>
      %reduce_sum3A_160 = vector.multi_reduction <add>, %mul3A_158, %reduce_sum3A_159 [1] : vector<200x32x64xf32> to vector<200x64xf32>
      %slice3A_161 = vector.extract_strided_slice %reshape3A_140 {offsets = [0, 0, 4], sizes = [200, 32, 1], strides = [1, 1, 1]} : vector<200x32x15xf32> to vector<200x32x1xf32>
      %mul3A_162 = vector.broadcast %slice3A_161 : vector<200x32x1xf32> to vector<200x32x64xf32>
      %mul3A_163 = arith.mulf %mul3A_162, %reshape3A_139 : vector<200x32x64xf32>
      %reduce_sum3A_164 = arith.constant dense<0.000000e+00> : vector<200x64xf32>
      %reduce_sum3A_165 = vector.multi_reduction <add>, %mul3A_163, %reduce_sum3A_164 [1] : vector<200x32x64xf32> to vector<200x64xf32>
      %slice3A_166 = vector.extract_strided_slice %reshape3A_140 {offsets = [0, 0, 5], sizes = [200, 32, 1], strides = [1, 1, 1]} : vector<200x32x15xf32> to vector<200x32x1xf32>
      %mul3A_167 = vector.broadcast %slice3A_166 : vector<200x32x1xf32> to vector<200x32x64xf32>
      %mul3A_168 = arith.mulf %mul3A_167, %reshape3A_139 : vector<200x32x64xf32>
      %reduce_sum3A_169 = arith.constant dense<0.000000e+00> : vector<200x64xf32>
      %reduce_sum3A_170 = vector.multi_reduction <add>, %mul3A_168, %reduce_sum3A_169 [1] : vector<200x32x64xf32> to vector<200x64xf32>
      %slice3A_171 = vector.extract_strided_slice %reshape3A_140 {offsets = [0, 0, 6], sizes = [200, 32, 1], strides = [1, 1, 1]} : vector<200x32x15xf32> to vector<200x32x1xf32>
      %mul3A_172 = vector.broadcast %slice3A_171 : vector<200x32x1xf32> to vector<200x32x64xf32>
      %mul3A_173 = arith.mulf %mul3A_172, %reshape3A_139 : vector<200x32x64xf32>
      %reduce_sum3A_174 = arith.constant dense<0.000000e+00> : vector<200x64xf32>
      %reduce_sum3A_175 = vector.multi_reduction <add>, %mul3A_173, %reduce_sum3A_174 [1] : vector<200x32x64xf32> to vector<200x64xf32>
      %slice3A_176 = vector.extract_strided_slice %reshape3A_140 {offsets = [0, 0, 7], sizes = [200, 32, 1], strides = [1, 1, 1]} : vector<200x32x15xf32> to vector<200x32x1xf32>
      %mul3A_177 = vector.broadcast %slice3A_176 : vector<200x32x1xf32> to vector<200x32x64xf32>
      %mul3A_178 = arith.mulf %mul3A_177, %reshape3A_139 : vector<200x32x64xf32>
      %reduce_sum3A_179 = arith.constant dense<0.000000e+00> : vector<200x64xf32>
      %reduce_sum3A_180 = vector.multi_reduction <add>, %mul3A_178, %reduce_sum3A_179 [1] : vector<200x32x64xf32> to vector<200x64xf32>
      %slice3A_181 = vector.extract_strided_slice %reshape3A_140 {offsets = [0, 0, 8], sizes = [200, 32, 1], strides = [1, 1, 1]} : vector<200x32x15xf32> to vector<200x32x1xf32>
      %mul3A_182 = vector.broadcast %slice3A_181 : vector<200x32x1xf32> to vector<200x32x64xf32>
      %mul3A_183 = arith.mulf %mul3A_182, %reshape3A_139 : vector<200x32x64xf32>
      %reduce_sum3A_184 = arith.constant dense<0.000000e+00> : vector<200x64xf32>
      %reduce_sum3A_185 = vector.multi_reduction <add>, %mul3A_183, %reduce_sum3A_184 [1] : vector<200x32x64xf32> to vector<200x64xf32>
      %slice3A_186 = vector.extract_strided_slice %reshape3A_140 {offsets = [0, 0, 9], sizes = [200, 32, 1], strides = [1, 1, 1]} : vector<200x32x15xf32> to vector<200x32x1xf32>
      %mul3A_187 = vector.broadcast %slice3A_186 : vector<200x32x1xf32> to vector<200x32x64xf32>
      %mul3A_188 = arith.mulf %mul3A_187, %reshape3A_139 : vector<200x32x64xf32>
      %reduce_sum3A_189 = arith.constant dense<0.000000e+00> : vector<200x64xf32>
      %reduce_sum3A_190 = vector.multi_reduction <add>, %mul3A_188, %reduce_sum3A_189 [1] : vector<200x32x64xf32> to vector<200x64xf32>
      %slice3A_191 = vector.extract_strided_slice %reshape3A_140 {offsets = [0, 0, 10], sizes = [200, 32, 1], strides = [1, 1, 1]} : vector<200x32x15xf32> to vector<200x32x1xf32>
      %mul3A_192 = vector.broadcast %slice3A_191 : vector<200x32x1xf32> to vector<200x32x64xf32>
      %mul3A_193 = arith.mulf %mul3A_192, %reshape3A_139 : vector<200x32x64xf32>
      %reduce_sum3A_194 = arith.constant dense<0.000000e+00> : vector<200x64xf32>
      %reduce_sum3A_195 = vector.multi_reduction <add>, %mul3A_193, %reduce_sum3A_194 [1] : vector<200x32x64xf32> to vector<200x64xf32>
      %slice3A_196 = vector.extract_strided_slice %reshape3A_140 {offsets = [0, 0, 11], sizes = [200, 32, 1], strides = [1, 1, 1]} : vector<200x32x15xf32> to vector<200x32x1xf32>
      %mul3A_197 = vector.broadcast %slice3A_196 : vector<200x32x1xf32> to vector<200x32x64xf32>
      %mul3A_198 = arith.mulf %mul3A_197, %reshape3A_139 : vector<200x32x64xf32>
      %reduce_sum3A_199 = arith.constant dense<0.000000e+00> : vector<200x64xf32>
      %reduce_sum3A_200 = vector.multi_reduction <add>, %mul3A_198, %reduce_sum3A_199 [1] : vector<200x32x64xf32> to vector<200x64xf32>
      %slice3A_201 = vector.extract_strided_slice %reshape3A_140 {offsets = [0, 0, 12], sizes = [200, 32, 1], strides = [1, 1, 1]} : vector<200x32x15xf32> to vector<200x32x1xf32>
      %mul3A_202 = vector.broadcast %slice3A_201 : vector<200x32x1xf32> to vector<200x32x64xf32>
      %mul3A_203 = arith.mulf %mul3A_202, %reshape3A_139 : vector<200x32x64xf32>
      %reduce_sum3A_204 = arith.constant dense<0.000000e+00> : vector<200x64xf32>
      %reduce_sum3A_205 = vector.multi_reduction <add>, %mul3A_203, %reduce_sum3A_204 [1] : vector<200x32x64xf32> to vector<200x64xf32>
      %slice3A_206 = vector.extract_strided_slice %reshape3A_140 {offsets = [0, 0, 13], sizes = [200, 32, 1], strides = [1, 1, 1]} : vector<200x32x15xf32> to vector<200x32x1xf32>
      %mul3A_207 = vector.broadcast %slice3A_206 : vector<200x32x1xf32> to vector<200x32x64xf32>
      %mul3A_208 = arith.mulf %mul3A_207, %reshape3A_139 : vector<200x32x64xf32>
      %reduce_sum3A_209 = arith.constant dense<0.000000e+00> : vector<200x64xf32>
      %reduce_sum3A_210 = vector.multi_reduction <add>, %mul3A_208, %reduce_sum3A_209 [1] : vector<200x32x64xf32> to vector<200x64xf32>
      %slice3A_211 = vector.extract_strided_slice %reshape3A_140 {offsets = [0, 0, 14], sizes = [200, 32, 1], strides = [1, 1, 1]} : vector<200x32x15xf32> to vector<200x32x1xf32>
      %mul3A_212 = vector.broadcast %slice3A_211 : vector<200x32x1xf32> to vector<200x32x64xf32>
      %mul3A_213 = arith.mulf %mul3A_212, %reshape3A_139 : vector<200x32x64xf32>
      %reduce_sum3A_214 = arith.constant dense<0.000000e+00> : vector<200x64xf32>
      %reduce_sum3A_215 = vector.multi_reduction <add>, %mul3A_213, %reduce_sum3A_214 [1] : vector<200x32x64xf32> to vector<200x64xf32>
      %concatenate3A_216 = tpu.concatenate %reduce_sum3A_145, %reduce_sum3A_150, %reduce_sum3A_155, %reduce_sum3A_160, %reduce_sum3A_165, %reduce_sum3A_170, %reduce_sum3A_175, %reduce_sum3A_180, %reduce_sum3A_185, %reduce_sum3A_190, %reduce_sum3A_195, %reduce_sum3A_200, %reduce_sum3A_205, %reduce_sum3A_210, %reduce_sum3A_215 in 1 : vector<200x64xf32>, vector<200x64xf32>, vector<200x64xf32>, vector<200x64xf32>, vector<200x64xf32>, vector<200x64xf32>, vector<200x64xf32>, vector<200x64xf32>, vector<200x64xf32>, vector<200x64xf32>, vector<200x64xf32>, vector<200x64xf32>, vector<200x64xf32>, vector<200x64xf32>, vector<200x64xf32> -> vector<200x960xf32>
      %get3A_217 = arith.constant 0 : index
      %get3A_218 = arith.constant 0 : index
      %get3A_219 = vector.load %arg12[%get3A_217, %get3A_218] : memref<960x64xf32, #tpu.memory_space<vmem>>, vector<960x64xf32>
      %dot_general3A_220 = arith.constant dense<0.000000e+00> : vector<200x64xf32>
      %dot_general3A_221 = tpu.matmul %concatenate3A_216, %get3A_219, %dot_general3A_220 {dimension_numbers = #tpu.dot_dimension_numbers<[1], [0], [0], [1], [0, 0, 1, 1], [], []>, precision = #tpu.contract_precision<fp32>, transpose_lhs_hint = false} : vector<200x960xf32>, vector<960x64xf32>, vector<200x64xf32> -> vector<200x64xf32>
      %swap3A = arith.constant 0 : index
      %swap3A_222 = arith.constant 0 : index
      %swap3A_223 = vector.load %arg13[%swap3A, %swap3A_222] : memref<200x64xf32, #tpu.memory_space<vmem>>, vector<200x64xf32>
      tpu.vector_store %arg13[%swap3A, %swap3A_222], %dot_general3A_221 {strides = array<i32>} : memref<200x64xf32, #tpu.memory_space<vmem>>, vector<200x64xf32>,
      %get3A_224 = arith.constant 0 : index
      %get3A_225 = arith.constant 0 : index
      %get3A_226 = vector.load %arg14[%get3A_224, %get3A_225] : memref<1x64xf32, #tpu.memory_space<vmem>>, vector<1x64xf32>
      %reduce_sum3A_227 = arith.constant dense<0.000000e+00> : vector<64xf32>
      %reduce_sum3A_228 = vector.multi_reduction <add>, %dot_general3A_221, %reduce_sum3A_227 [0] : vector<200x64xf32> to vector<64xf32>
      %broadcast_in_dim3A_229 = vector.shape_cast %reduce_sum3A_228 : vector<64xf32> to vector<1x64xf32>
      %add3A_230 = arith.addf %get3A_226, %broadcast_in_dim3A_229 : vector<1x64xf32>
      %swap3A_231 = arith.constant 0 : index
      %swap3A_232 = arith.constant 0 : index
      %swap3A_233 = vector.load %arg14[%swap3A_231, %swap3A_232] : memref<1x64xf32, #tpu.memory_space<vmem>>, vector<1x64xf32>
      tpu.vector_store %arg14[%swap3A_231, %swap3A_232], %add3A_230 {strides = array<i32>} : memref<1x64xf32, #tpu.memory_space<vmem>>, vector<1x64xf32>,
      %get3A_234 = arith.constant 0 : index
      %get3A_235 = arith.constant 0 : index
      %get3A_236 = vector.load %arg15[%get3A_234, %get3A_235] : memref<1x64xf32, #tpu.memory_space<vmem>>, vector<1x64xf32>
      %mul3A_237 = arith.mulf %dot_general3A_221, %dot_general3A_221 : vector<200x64xf32>
      %reduce_sum3A_238 = arith.constant dense<0.000000e+00> : vector<64xf32>
      %reduce_sum3A_239 = vector.multi_reduction <add>, %mul3A_237, %reduce_sum3A_238 [0] : vector<200x64xf32> to vector<64xf32>
      %broadcast_in_dim3A_240 = vector.shape_cast %reduce_sum3A_239 : vector<64xf32> to vector<1x64xf32>
      %add3A_241 = arith.addf %get3A_236, %broadcast_in_dim3A_240 : vector<1x64xf32>
      %swap3A_242 = arith.constant 0 : index
      %swap3A_243 = arith.constant 0 : index
      %swap3A_244 = vector.load %arg15[%swap3A_242, %swap3A_243] : memref<1x64xf32, #tpu.memory_space<vmem>>, vector<1x64xf32>
      tpu.vector_store %arg15[%swap3A_242, %swap3A_243], %add3A_241 {strides = array<i32>} : memref<1x64xf32, #tpu.memory_space<vmem>>, vector<1x64xf32>,
    } else {
    }
    %le3A = arith.constant 0 : i32
    %le3A_7 = arith.cmpi sle, %get3A_0, %le3A : i32
    %convert_element_type3A_8 = arith.extui %le3A_7 : i1 to i32
    %cond3A_9 = arith.constant 0 : i32
    %cond3A_10 = arith.cmpi ne, %convert_element_type3A_8, %cond3A_9 : i32
    scf.if %cond3A_10 {
      %broadcast_in_dim3A = arith.constant 0.000000e+00 : f32
      %broadcast_in_dim3A_11 = vector.broadcast %broadcast_in_dim3A : f32 to vector<200x64xf32>
      %swap3A = arith.constant 0 : index
      %swap3A_12 = arith.constant 0 : index
      %swap3A_13 = vector.load %arg13[%swap3A, %swap3A_12] : memref<200x64xf32, #tpu.memory_space<vmem>>, vector<200x64xf32>
      tpu.vector_store %arg13[%swap3A, %swap3A_12], %broadcast_in_dim3A_11 {strides = array<i32>} : memref<200x64xf32, #tpu.memory_space<vmem>>, vector<200x64xf32>,
    } else {
    }
    return
  }
  func.func @transform_0(%arg0: i32, %arg1: memref<100xi32, #tpu.memory_space<smem>>) -> (i32, i32, i32) {
    %get3A = arith.index_cast %arg0 : i32 to index
    %get3A_0 = memref.load %arg1[%get3A] : memref<100xi32, #tpu.memory_space<smem>>
    %gt3A = arith.constant 0 : i32
    %gt3A_1 = arith.cmpi sgt, %get3A_0, %gt3A : i32
    %jit3A = arith.constant 0 : i32
    %select_n3A = arith.select %gt3A_1, %arg0, %jit3A : i32
    %c0_i32 = arith.constant 0 : i32
    %c0_i32_2 = arith.constant 0 : i32
    %c0_i32_3 = arith.constant 0 : i32
    return %select_n3A, %c0_i32, %c0_i32_2 : i32, i32, i32
  }
  func.func @transform_1(%arg0: i32, %arg1: memref<100xi32, #tpu.memory_space<smem>>) -> (i32, i32) {
    %get3A = arith.index_cast %arg0 : i32 to index
    %get3A_0 = memref.load %arg1[%get3A] : memref<100xi32, #tpu.memory_space<smem>>
    %gt3A = arith.constant 0 : i32
    %gt3A_1 = arith.cmpi sgt, %get3A_0, %gt3A : i32
    %jit3A = arith.constant 0 : i32
    %select_n3A = arith.select %gt3A_1, %arg0, %jit3A : i32
    %c0_i32 = arith.constant 0 : i32
    %c0_i32_2 = arith.constant 0 : i32
    return %select_n3A, %c0_i32 : i32, i32
  }
  func.func @transform_2(%arg0: i32, %arg1: memref<100xi32, #tpu.memory_space<smem>>) -> (i32, i32) {
    %get3A = arith.index_cast %arg0 : i32 to index
    %get3A_0 = memref.load %arg1[%get3A] : memref<100xi32, #tpu.memory_space<smem>>
    %gt3A = arith.constant 0 : i32
    %gt3A_1 = arith.cmpi sgt, %get3A_0, %gt3A : i32
    %jit3A = arith.constant 0 : i32
    %select_n3A = arith.select %gt3A_1, %arg0, %jit3A : i32
    %c0_i32 = arith.constant 0 : i32
    %c0_i32_2 = arith.constant 0 : i32
    return %select_n3A, %c0_i32 : i32, i32
  }
  func.func @transform_3(%arg0: i32, %arg1: memref<100xi32, #tpu.memory_space<smem>>) -> (i32, i32) {
    %c0_i32 = arith.constant 0 : i32
    %c0_i32_0 = arith.constant 0 : i32
    %c0_i32_1 = arith.constant 0 : i32
    return %c0_i32, %c0_i32_0 : i32, i32
  }
  func.func @transform_4(%arg0: i32, %arg1: memref<100xi32, #tpu.memory_space<smem>>) -> (i32, i32) {
    %c0_i32 = arith.constant 0 : i32
    %c0_i32_0 = arith.constant 0 : i32
    %c0_i32_1 = arith.constant 0 : i32
    return %c0_i32, %c0_i32_0 : i32, i32
  }
  func.func @transform_5(%arg0: i32, %arg1: memref<100xi32, #tpu.memory_space<smem>>) -> (i32, i32) {
    %c0_i32 = arith.constant 0 : i32
    %c0_i32_0 = arith.constant 0 : i32
    %c0_i32_1 = arith.constant 0 : i32
    return %c0_i32, %c0_i32_0 : i32, i32
  }
  func.func @transform_6(%arg0: i32, %arg1: memref<100xi32, #tpu.memory_space<smem>>) -> (i32, i32) {
    %c0_i32 = arith.constant 0 : i32
    %c0_i32_0 = arith.constant 0 : i32
    %c0_i32_1 = arith.constant 0 : i32
    return %c0_i32, %c0_i32_0 : i32, i32
  }
  func.func @transform_7(%arg0: i32, %arg1: memref<100xi32, #tpu.memory_space<smem>>) -> (i32, i32) {
    %c0_i32 = arith.constant 0 : i32
    %c0_i32_0 = arith.constant 0 : i32
    %c0_i32_1 = arith.constant 0 : i32
    return %c0_i32, %c0_i32_0 : i32, i32
  }
  func.func @transform_8(%arg0: i32, %arg1: memref<100xi32, #tpu.memory_space<smem>>) -> (i32, i32) {
    %c0_i32 = arith.constant 0 : i32
    %c0_i32_0 = arith.constant 0 : i32
    %c0_i32_1 = arith.constant 0 : i32
    return %c0_i32, %c0_i32_0 : i32, i32
  }
  func.func @transform_9(%arg0: i32, %arg1: memref<100xi32, #tpu.memory_space<smem>>) -> (i32, i32) {
    %c0_i32 = arith.constant 0 : i32
    %c0_i32_0 = arith.constant 0 : i32
    %c0_i32_1 = arith.constant 0 : i32
    return %c0_i32, %c0_i32_0 : i32, i32
  }
  func.func @transform_10(%arg0: i32, %arg1: memref<100xi32, #tpu.memory_space<smem>>) -> (i32, i32) {
    %c0_i32 = arith.constant 0 : i32
    %c0_i32_0 = arith.constant 0 : i32
    %c0_i32_1 = arith.constant 0 : i32
    return %c0_i32, %c0_i32_0 : i32, i32
  }
  func.func @transform_11(%arg0: i32, %arg1: memref<100xi32, #tpu.memory_space<smem>>) -> (i32, i32) {
    %c0_i32 = arith.constant 0 : i32
    %c0_i32_0 = arith.constant 0 : i32
    return %arg0, %c0_i32 : i32, i32
  }
  func.func @transform_12(%arg0: i32, %arg1: memref<100xi32, #tpu.memory_space<smem>>) -> (i32, i32) {
    %c0_i32 = arith.constant 0 : i32
    %c0_i32_0 = arith.constant 0 : i32
    %c0_i32_1 = arith.constant 0 : i32
    return %c0_i32, %c0_i32_0 : i32, i32
  }
  func.func @transform_13(%arg0: i32, %arg1: memref<100xi32, #tpu.memory_space<smem>>) -> (i32, i32) {
    %c0_i32 = arith.constant 0 : i32
    %c0_i32_0 = arith.constant 0 : i32
    %c0_i32_1 = arith.constant 0 : i32
    return %c0_i32, %c0_i32_0 : i32, i32
  }
}

module attributes {stable_mosaic.version = 14 : i64} {
  func.func @_p3_body(%arg0: i32, %arg1: memref<2000x64xf32, #tpu.memory_space<vmem>>, %arg2: memref<1x64xf32, #tpu.memory_space<vmem>>, %arg3: memref<1x64xf32, #tpu.memory_space<vmem>>, %arg4: memref<64x64xf32, #tpu.memory_space<vmem>>, %arg5: memref<1x64xf32, #tpu.memory_space<vmem>>, %arg6: memref<2000x64xf32, #tpu.memory_space<vmem>>, %arg7: memref<1x64xf32, #tpu.memory_space<vmem>>, %arg8: memref<1x64xf32, #tpu.memory_space<vmem>>) attributes {dimension_semantics = [#tpu.dimension_semantics<arbitrary>], iteration_bounds = array<i64: 10>, scalar_prefetch = 0 : i64, scratch_operands = 0 : i64, tpu.core_type = #tpu.core_type<tc>, window_params = [{transform_indices = @transform_0, window_bounds = array<i64: 2000, 64>}, {pipeline_mode = #tpu.pipeline_mode<synchronous>, transform_indices = @transform_1, window_bounds = array<i64: 1, 64>}, {pipeline_mode = #tpu.pipeline_mode<synchronous>, transform_indices = @transform_2, window_bounds = array<i64: 1, 64>}, {pipeline_mode = #tpu.pipeline_mode<synchronous>, transform_indices = @transform_3, window_bounds = array<i64: 64, 64>}, {pipeline_mode = #tpu.pipeline_mode<synchronous>, transform_indices = @transform_4, window_bounds = array<i64: 1, 64>}, {transform_indices = @transform_5, window_bounds = array<i64: 2000, 64>}, {pipeline_mode = #tpu.pipeline_mode<synchronous>, transform_indices = @transform_6, window_bounds = array<i64: 1, 64>}, {pipeline_mode = #tpu.pipeline_mode<synchronous>, transform_indices = @transform_7, window_bounds = array<i64: 1, 64>}]} {
    %get3A = arith.constant 0 : index
    %get3A_0 = arith.constant 0 : index
    %get3A_1 = vector.load %arg1[%get3A, %get3A_0] : memref<2000x64xf32, #tpu.memory_space<vmem>>, vector<2000x64xf32>
    %get3A_2 = arith.constant 0 : index
    %get3A_3 = arith.constant 0 : index
    %get3A_4 = vector.load %arg2[%get3A_2, %get3A_3] : memref<1x64xf32, #tpu.memory_space<vmem>>, vector<1x64xf32>
    %mul3A = vector.broadcast %get3A_4 : vector<1x64xf32> to vector<2000x64xf32>
    %mul3A_5 = arith.mulf %get3A_1, %mul3A : vector<2000x64xf32>
    %get3A_6 = arith.constant 0 : index
    %get3A_7 = arith.constant 0 : index
    %get3A_8 = vector.load %arg3[%get3A_6, %get3A_7] : memref<1x64xf32, #tpu.memory_space<vmem>>, vector<1x64xf32>
    %add3A = vector.broadcast %get3A_8 : vector<1x64xf32> to vector<2000x64xf32>
    %add3A_9 = arith.addf %mul3A_5, %add3A : vector<2000x64xf32>
    %ge3A = arith.constant 0.000000e+00 : f32
    %ge3A_10 = vector.broadcast %ge3A : f32 to vector<2000x64xf32>
    %ge3A_11 = arith.cmpf oge, %add3A_9, %ge3A_10 : vector<2000x64xf32>
    %mul3A_12 = arith.constant 1.000000e-01 : f32
    %mul3A_13 = vector.broadcast %mul3A_12 : f32 to vector<2000x64xf32>
    %mul3A_14 = arith.mulf %mul3A_13, %add3A_9 : vector<2000x64xf32>
    %select_n3A = arith.select %ge3A_11, %add3A_9, %mul3A_14 : vector<2000x64xi1>, vector<2000x64xf32>
    %get3A_15 = arith.constant 0 : index
    %get3A_16 = arith.constant 0 : index
    %get3A_17 = vector.load %arg4[%get3A_15, %get3A_16] : memref<64x64xf32, #tpu.memory_space<vmem>>, vector<64x64xf32>
    %dot_general3A = arith.constant dense<0.000000e+00> : vector<2000x64xf32>
    %dot_general3A_18 = tpu.matmul %select_n3A, %get3A_17, %dot_general3A {dimension_numbers = #tpu.dot_dimension_numbers<[1], [0], [0], [1], [0, 0, 1, 1], [], []>, precision = #tpu.contract_precision<fp32>, transpose_lhs_hint = false} : vector<2000x64xf32>, vector<64x64xf32>, vector<2000x64xf32> -> vector<2000x64xf32>
    %get3A_19 = arith.constant 0 : index
    %get3A_20 = arith.constant 0 : index
    %get3A_21 = vector.load %arg5[%get3A_19, %get3A_20] : memref<1x64xf32, #tpu.memory_space<vmem>>, vector<1x64xf32>
    %add3A_22 = vector.broadcast %get3A_21 : vector<1x64xf32> to vector<2000x64xf32>
    %add3A_23 = arith.addf %dot_general3A_18, %add3A_22 : vector<2000x64xf32>
    %swap3A = arith.constant 0 : index
    %swap3A_24 = arith.constant 0 : index
    %swap3A_25 = vector.load %arg6[%swap3A, %swap3A_24] : memref<2000x64xf32, #tpu.memory_space<vmem>>, vector<2000x64xf32>
    tpu.vector_store %arg6[%swap3A, %swap3A_24], %add3A_23 {strides = array<i32>} : memref<2000x64xf32, #tpu.memory_space<vmem>>, vector<2000x64xf32>,
    %reduce_sum3A = arith.constant dense<0.000000e+00> : vector<64xf32>
    %reduce_sum3A_26 = vector.multi_reduction <add>, %add3A_23, %reduce_sum3A [0] : vector<2000x64xf32> to vector<64xf32>
    %broadcast_in_dim3A = vector.shape_cast %reduce_sum3A_26 : vector<64xf32> to vector<1x64xf32>
    %mul3A_27 = arith.mulf %add3A_23, %add3A_23 : vector<2000x64xf32>
    %reduce_sum3A_28 = arith.constant dense<0.000000e+00> : vector<64xf32>
    %reduce_sum3A_29 = vector.multi_reduction <add>, %mul3A_27, %reduce_sum3A_28 [0] : vector<2000x64xf32> to vector<64xf32>
    %broadcast_in_dim3A_30 = vector.shape_cast %reduce_sum3A_29 : vector<64xf32> to vector<1x64xf32>
    %eq3A = arith.constant 0 : i32
    %eq3A_31 = arith.cmpi eq, %arg0, %eq3A : i32
    %convert_element_type3A = arith.extui %eq3A_31 : i1 to i32
    %cond3A = arith.constant 0 : i32
    %cond3A_32 = arith.cmpi ne, %convert_element_type3A, %cond3A : i32
    scf.if %cond3A_32 {
      %swap3A_37 = arith.constant 0 : index
      %swap3A_38 = arith.constant 0 : index
      %swap3A_39 = vector.load %arg7[%swap3A_37, %swap3A_38] : memref<1x64xf32, #tpu.memory_space<vmem>>, vector<1x64xf32>
      tpu.vector_store %arg7[%swap3A_37, %swap3A_38], %broadcast_in_dim3A {strides = array<i32>} : memref<1x64xf32, #tpu.memory_space<vmem>>, vector<1x64xf32>,
      %swap3A_40 = arith.constant 0 : index
      %swap3A_41 = arith.constant 0 : index
      %swap3A_42 = vector.load %arg8[%swap3A_40, %swap3A_41] : memref<1x64xf32, #tpu.memory_space<vmem>>, vector<1x64xf32>
      tpu.vector_store %arg8[%swap3A_40, %swap3A_41], %broadcast_in_dim3A_30 {strides = array<i32>} : memref<1x64xf32, #tpu.memory_space<vmem>>, vector<1x64xf32>,
    } else {
    }
    %gt3A = arith.constant 0 : i32
    %gt3A_33 = arith.cmpi sgt, %arg0, %gt3A : i32
    %convert_element_type3A_34 = arith.extui %gt3A_33 : i1 to i32
    %cond3A_35 = arith.constant 0 : i32
    %cond3A_36 = arith.cmpi ne, %convert_element_type3A_34, %cond3A_35 : i32
    scf.if %cond3A_36 {
      %get3A_37 = arith.constant 0 : index
      %get3A_38 = arith.constant 0 : index
      %get3A_39 = vector.load %arg7[%get3A_37, %get3A_38] : memref<1x64xf32, #tpu.memory_space<vmem>>, vector<1x64xf32>
      %add3A_40 = arith.addf %get3A_39, %broadcast_in_dim3A : vector<1x64xf32>
      %swap3A_41 = arith.constant 0 : index
      %swap3A_42 = arith.constant 0 : index
      %swap3A_43 = vector.load %arg7[%swap3A_41, %swap3A_42] : memref<1x64xf32, #tpu.memory_space<vmem>>, vector<1x64xf32>
      tpu.vector_store %arg7[%swap3A_41, %swap3A_42], %add3A_40 {strides = array<i32>} : memref<1x64xf32, #tpu.memory_space<vmem>>, vector<1x64xf32>,
      %get3A_44 = arith.constant 0 : index
      %get3A_45 = arith.constant 0 : index
      %get3A_46 = vector.load %arg8[%get3A_44, %get3A_45] : memref<1x64xf32, #tpu.memory_space<vmem>>, vector<1x64xf32>
      %add3A_47 = arith.addf %get3A_46, %broadcast_in_dim3A_30 : vector<1x64xf32>
      %swap3A_48 = arith.constant 0 : index
      %swap3A_49 = arith.constant 0 : index
      %swap3A_50 = vector.load %arg8[%swap3A_48, %swap3A_49] : memref<1x64xf32, #tpu.memory_space<vmem>>, vector<1x64xf32>
      tpu.vector_store %arg8[%swap3A_48, %swap3A_49], %add3A_47 {strides = array<i32>} : memref<1x64xf32, #tpu.memory_space<vmem>>, vector<1x64xf32>,
    } else {
    }
    return
  }
  func.func @transform_0(%arg0: i32) -> (i32, i32) {
    %c0_i32 = arith.constant 0 : i32
    %c0_i32_0 = arith.constant 0 : i32
    return %arg0, %c0_i32 : i32, i32
  }
  func.func @transform_1(%arg0: i32) -> (i32, i32) {
    %c0_i32 = arith.constant 0 : i32
    %c0_i32_0 = arith.constant 0 : i32
    %c0_i32_1 = arith.constant 0 : i32
    return %c0_i32, %c0_i32_0 : i32, i32
  }
  func.func @transform_2(%arg0: i32) -> (i32, i32) {
    %c0_i32 = arith.constant 0 : i32
    %c0_i32_0 = arith.constant 0 : i32
    %c0_i32_1 = arith.constant 0 : i32
    return %c0_i32, %c0_i32_0 : i32, i32
  }
  func.func @transform_3(%arg0: i32) -> (i32, i32) {
    %c0_i32 = arith.constant 0 : i32
    %c0_i32_0 = arith.constant 0 : i32
    %c0_i32_1 = arith.constant 0 : i32
    return %c0_i32, %c0_i32_0 : i32, i32
  }
  func.func @transform_4(%arg0: i32) -> (i32, i32) {
    %c0_i32 = arith.constant 0 : i32
    %c0_i32_0 = arith.constant 0 : i32
    %c0_i32_1 = arith.constant 0 : i32
    return %c0_i32, %c0_i32_0 : i32, i32
  }
  func.func @transform_5(%arg0: i32) -> (i32, i32) {
    %c0_i32 = arith.constant 0 : i32
    %c0_i32_0 = arith.constant 0 : i32
    return %arg0, %c0_i32 : i32, i32
  }
  func.func @transform_6(%arg0: i32) -> (i32, i32) {
    %c0_i32 = arith.constant 0 : i32
    %c0_i32_0 = arith.constant 0 : i32
    %c0_i32_1 = arith.constant 0 : i32
    return %c0_i32, %c0_i32_0 : i32, i32
  }
  func.func @transform_7(%arg0: i32) -> (i32, i32) {
    %c0_i32 = arith.constant 0 : i32
    %c0_i32_0 = arith.constant 0 : i32
    %c0_i32_1 = arith.constant 0 : i32
    return %c0_i32, %c0_i32_0 : i32, i32
  }
}

module attributes {stable_mosaic.version = 14 : i64} {
  func.func @_p4_body(%arg0: i32, %arg1: memref<2000x64xf32, #tpu.memory_space<vmem>>, %arg2: memref<1x64xf32, #tpu.memory_space<vmem>>, %arg3: memref<1x64xf32, #tpu.memory_space<vmem>>, %arg4: memref<2000x64xf32, #tpu.memory_space<vmem>>) attributes {dimension_semantics = [#tpu.dimension_semantics<arbitrary>], iteration_bounds = array<i64: 10>, scalar_prefetch = 0 : i64, scratch_operands = 0 : i64, tpu.core_type = #tpu.core_type<tc>, window_params = [{transform_indices = @transform_0, window_bounds = array<i64: 2000, 64>}, {pipeline_mode = #tpu.pipeline_mode<synchronous>, transform_indices = @transform_1, window_bounds = array<i64: 1, 64>}, {pipeline_mode = #tpu.pipeline_mode<synchronous>, transform_indices = @transform_2, window_bounds = array<i64: 1, 64>}, {transform_indices = @transform_3, window_bounds = array<i64: 2000, 64>}]} {
    %get3A = arith.constant 0 : index
    %get3A_0 = arith.constant 0 : index
    %get3A_1 = vector.load %arg1[%get3A, %get3A_0] : memref<2000x64xf32, #tpu.memory_space<vmem>>, vector<2000x64xf32>
    %get3A_2 = arith.constant 0 : index
    %get3A_3 = arith.constant 0 : index
    %get3A_4 = vector.load %arg2[%get3A_2, %get3A_3] : memref<1x64xf32, #tpu.memory_space<vmem>>, vector<1x64xf32>
    %mul3A = vector.broadcast %get3A_4 : vector<1x64xf32> to vector<2000x64xf32>
    %mul3A_5 = arith.mulf %get3A_1, %mul3A : vector<2000x64xf32>
    %get3A_6 = arith.constant 0 : index
    %get3A_7 = arith.constant 0 : index
    %get3A_8 = vector.load %arg3[%get3A_6, %get3A_7] : memref<1x64xf32, #tpu.memory_space<vmem>>, vector<1x64xf32>
    %add3A = vector.broadcast %get3A_8 : vector<1x64xf32> to vector<2000x64xf32>
    %add3A_9 = arith.addf %mul3A_5, %add3A : vector<2000x64xf32>
    %max3A = arith.constant 0.000000e+00 : f32
    %max3A_10 = vector.broadcast %max3A : f32 to vector<2000x64xf32>
    %max3A_11 = arith.maximumf %add3A_9, %max3A_10 : vector<2000x64xf32>
    %swap3A = arith.constant 0 : index
    %swap3A_12 = arith.constant 0 : index
    %swap3A_13 = vector.load %arg4[%swap3A, %swap3A_12] : memref<2000x64xf32, #tpu.memory_space<vmem>>, vector<2000x64xf32>
    tpu.vector_store %arg4[%swap3A, %swap3A_12], %max3A_11 {strides = array<i32>} : memref<2000x64xf32, #tpu.memory_space<vmem>>, vector<2000x64xf32>,
    return
  }
  func.func @transform_0(%arg0: i32) -> (i32, i32) {
    %c0_i32 = arith.constant 0 : i32
    %c0_i32_0 = arith.constant 0 : i32
    return %arg0, %c0_i32 : i32, i32
  }
  func.func @transform_1(%arg0: i32) -> (i32, i32) {
    %c0_i32 = arith.constant 0 : i32
    %c0_i32_0 = arith.constant 0 : i32
    %c0_i32_1 = arith.constant 0 : i32
    return %c0_i32, %c0_i32_0 : i32, i32
  }
  func.func @transform_2(%arg0: i32) -> (i32, i32) {
    %c0_i32 = arith.constant 0 : i32
    %c0_i32_0 = arith.constant 0 : i32
    %c0_i32_1 = arith.constant 0 : i32
    return %c0_i32, %c0_i32_0 : i32, i32
  }
  func.func @transform_3(%arg0: i32) -> (i32, i32) {
    %c0_i32 = arith.constant 0 : i32
    %c0_i32_0 = arith.constant 0 : i32
    return %arg0, %c0_i32 : i32, i32
  }
}

</mosaic_0001>

<sc_bundles>
// kernel: gather_offload_async_start.1
scs
__scs_entry_jumppad:
0x0: {  	(pc) =	sbr.rel $0x88, $3  }
0x1: {  	(tag) =	ssettag $0x0;
	lr =	simm.s32 $0x1  }
0x2: {  	[smem:$0x3F92] =	sst lr;
	_ =	strace $0xD0000000  }
0x3: {  	_ = 	snop  }
0x4: {  	_ = 	snop  }
0x5: {  	_ = 	snop  }
0x6: {  	_ = 	snop  }
0x7: {  	_ = 	snop  }
__scs_overlays_trampoline_lowered:
0x8: {  	[smem:$0x3FA1] =	sst s0  }
0x9: {  	[smem:$0x3FA2] =	sst s1  }
0xa: {  	[smem:$0x3FA3] =	sst s2  }
0xb: {  	[smem:$0x3FA4] =	sst s3  }
0xc: {  	[smem:$0x3FA5] =	sst s4  }
0xd: {  	[smem:$0x3FA6] =	sst s5  }
0xe: {  	[smem:$0x3FA7] =	sst s6  }
0xf: {  	[smem:$0x3FA8] =	sst s7  }
0x10: {  	[smem:$0x3FA9] =	sst s8  }
0x11: {  	[smem:$0x3FAA] =	sst s9;
	s0 =	simm.s32 @!p0 $0x0  }
0x12: {  	s1 =	sld [smem:$0x3F90];
	s0 =	simm.s32 @p0 $0x1  }
0x13: {  	[smem:$0x3FAB] =	sst s0;
	s0 =	simm.s32 @!p1 $0x0  }
0x14: {  	s2 =	sld [smem:$0x3F8F];
	s0 =	simm.s32 @p1 $0x1  }
0x15: {  	[smem:$0x3FAC] =	sst s0;
	s0 =	simm.s32 @!p2 $0x0  }
0x16: {  	s3 =	sld [smem:$0x3FDB];
	s0 =	simm.s32 @p2 $0x1  }
0x17: {  	s4 =	simm.s32 $0x1BF5;
	[smem:$0x3FAE] =	sst s0  }
0x18: {  	s0 =	sld [smem:$0x3F91];
	_ =	swait.ge [sflag:s4], $0x0  }
0x19: {  	s7 =	sld [smem:$0x3F92]  }
0x1a: {  	s8 =	sadd.s32 $0xFFFFE003, lr  }
0x1b: {  	s9 =	sadd.s32 $0xFFFFFEF7, lr;
	s5 =	simm.s32 $0xFFFFFFFF;
	p2 =	slt.u32 s8, $0xFFFFF086  }
0x1c: {  	p1 =	slt.u32 s9, $0xF7A;
	s5 =	simm.s32 @!p2 $0x0  }
0x1d: {  	s5 =	simm.s32 @p1 $0x1;
	p0 =	seq.s32 s7, s2  }
0x1e: {  	s7 =	smul.u32 @!p0 $0xF7A, s2;
	p2 =	seq.s32 @!p0 s5, $0x0  }
0x1f: {  	s9 =	smul.u32 $0xF7A, s1;
	s8 =	simm.s32 @!p0 $0x1BF5;
	p2 =	por !p2, p0  }
0x20: {  	[sflag:s8] =	ssyncset.s32 @!p0 $0xFFFFF086;
	s6 =	sadd.s32 @!p0 s3, s7;
	s7 =	simm.s32 @!p0 $0x108  }
0x21: {  	s3 =	sadd.s32 s3, s9;
	s6 =	sadd.s32 @!p0 $0x88, s6;
	s7 =	simm.s32 @p2 $0x1082  }
0x22: {  	[simem:s7], [sflag:s8] =	dma.local @!p0 [hbm:s6], $0xF7A  }
0x23: {  	s9 =	sor.u32 $0xD0000000, s2;
	s6 =	simm.s32 $0x108;
	_ =	swait.ge @!p0 [sflag:s8], $0x0  }
0x24: {  	s3 =	sadd.s32 $0x88, s3;
	s6 =	simm.s32 @!p1 $0x1082;
	[sflag:s4] =	ssyncset.s32 $0xFFFFF086  }
0x25: {  	[simem:s6], [sflag:s4] =	dma.local [hbm:s3], $0xF7A  }
0x26: {  	[smem:$0x3F92] =	sst s1;
	(tag) =	ssettag s2;
	_ =	strace s9  }
0x27: {  	s1 =	sld [smem:$0x3FA2]  }
0x28: {  	s2 =	sld [smem:$0x3FA3]  }
0x29: {  	s4 =	sld [smem:$0x3FA5]  }
0x2a: {  	p0 =	seq.s32 s5, $0x0;
	s5 =	sld [smem:$0x3FA6]  }
0x2b: {  	s6 =	sld [smem:$0x3FA7]  }
0x2c: {  	s7 =	sld [smem:$0x3FA8]  }
0x2d: {  	s3 =	simm.s32 $0x108;
	s8 =	sld [smem:$0x3FA9]  }
0x2e: {  	s3 =	simm.s32 @!p0 $0x1082;
	s9 =	sld [smem:$0x3FAA]  }
0x2f: {  	lr =	sadd.s32 s0, s3;
	s0 =	sld [smem:$0x3FA1]  }
0x30: {  	s3 =	sld [smem:$0x3FA4]  }
0x31: {  	[smem:$0x3FAD] =	sst s10  }
0x32: {  	s10 =	sld [smem:$0x3FAB];
	_ =	sdelay $0x3  }
0x33: {  	p0 =	seq.s32 s10, $0x1;
	s10 =	sld [smem:$0x3FAD];
	_ =	sdelay $0x3  }
0x34: {  	[smem:$0x3FAD] =	sst s10  }
0x35: {  	s10 =	sld [smem:$0x3FAC];
	_ =	sdelay $0x3  }
0x36: {  	p1 =	seq.s32 s10, $0x1;
	s10 =	sld [smem:$0x3FAD];
	_ =	sdelay $0x3  }
0x37: {  	[smem:$0x3FAD] =	sst s10  }
0x38: {  	s10 =	sld [smem:$0x3FAE]  }
0x39: {  	_ = 	snop;
	(pc) =	sbr.ind lr, $3  }
0x3a: {  	_ = 	snop  }
0x3b: {  	_ = 	snop  }
0x3c: {  	p2 =	seq.s32 s10, $0x1;
	s10 =	sld [smem:$0x3FAD]  }
0x3d: {  	_ =	shalt  }
0x3e: {  	_ =	shalt  }
0x3f: {  	_ =	shalt  }
0x40: {  	_ =	shalt  }
0x41: {  	_ =	shalt  }
0x42: {  	_ =	shalt  }
0x43: {  	_ =	shalt  }
0x44: {  	_ =	shalt  }
0x45: {  	_ =	shalt  }
0x46: {  	_ =	shalt  }
0x47: {  	_ =	shalt  }
0x48: {  	_ =	shalt  }
0x49: {  	_ =	shalt  }
0x4a: {  	_ =	shalt  }
0x4b: {  	_ =	shalt  }
0x4c: {  	_ =	shalt  }
0x4d: {  	_ =	shalt  }
0x4e: {  	_ =	shalt  }
0x4f: {  	_ =	shalt  }
0x50: {  	_ =	shalt  }
0x51: {  	_ =	shalt  }
0x52: {  	_ =	shalt  }
0x53: {  	_ =	shalt  }
0x54: {  	_ =	shalt  }
0x55: {  	_ =	shalt  }
0x56: {  	_ =	shalt  }
0x57: {  	_ =	shalt  }
0x58: {  	_ =	shalt  }
0x59: {  	_ =	shalt  }
0x5a: {  	_ =	shalt  }
0x5b: {  	_ =	shalt  }
0x5c: {  	_ =	shalt  }
0x5d: {  	_ =	shalt  }
0x5e: {  	_ =	shalt  }
0x5f: {  	_ =	shalt  }
0x60: {  	_ =	shalt  }
0x61: {  	_ =	shalt  }
0x62: {  	_ =	shalt  }
0x63: {  	_ =	shalt  }
0x64: {  	_ =	shalt  }
0x65: {  	_ =	shalt  }
0x66: {  	_ =	shalt  }
0x67: {  	_ =	shalt  }
0x68: {  	_ =	shalt  }
0x69: {  	_ =	shalt  }
0x6a: {  	_ =	shalt  }
0x6b: {  	_ =	shalt  }
0x6c: {  	_ =	shalt  }
0x6d: {  	_ =	shalt  }
0x6e: {  	_ =	shalt  }
0x6f: {  	_ =	shalt  }
0x70: {  	_ =	shalt  }
0x71: {  	_ =	shalt  }
0x72: {  	_ =	shalt  }
0x73: {  	_ =	shalt  }
0x74: {  	_ =	shalt  }
0x75: {  	_ =	shalt  }
0x76: {  	_ =	shalt  }
0x77: {  	_ =	shalt  }
0x78: {  	_ =	shalt  }
0x79: {  	_ =	shalt  }
0x7a: {  	_ =	shalt  }
0x7b: {  	_ =	shalt  }
0x7c: {  	_ =	shalt  }
0x7d: {  	_ =	shalt  }
0x7e: {  	_ =	shalt  }
0x7f: {  	_ =	shalt  }
0x80: {  	_ =	shalt  }
0x81: {  	_ =	shalt  }
0x82: {  	_ =	shalt  }
0x83: {  	_ =	shalt  }
0x84: {  	_ =	shalt  }
0x85: {  	_ =	shalt  }
0x86: {  	_ =	shalt  }
0x87: {  	_ =	shalt  }
.Lfunc_end0:
.L_simem_size_0:
called_computation.1_lowered:
.L_overlay_start_0:
0x88: {  	s2 =	sld [smem:$0x3FD9]  }
0x89: {  	s3 =	sld [smem:$0x3FFE];
	_ =	sdelay $0x1  }
0x8a: {  	s1 =	srdreg.scid  }
0x8b: {  	s0 =	sand.u32 $0x1, s1  }
0x8c: {  	s15 =	sshll.u32 s0, $0xA;
	s2 =	sadd.s32 s3, s2  }
0x8d: {  	s2 =	sadd.s32 s2, s15  }
0x8e: {  	[smem:$0x3FB9] =	sst s2  }
0x8f: {  	_ = 	snop  }
0x90: {  	s2 =	sld [smem:$0x3FD0];
	_ =	sdelay $0x2  }
0x91: {  	s16 =	simm.s32 $0xC;
	s4 =	simm.s32 $0x10  }
0x92: {  	[smem:s4], [sflag:s16] =	dma.local [hbm:s2], $0x1  }
0x93: {  	_ =	swait.eq [sflag:s16], $0x1  }
0x94: {  	[sflag:s16] =	ssyncset.done $0x0  }
0x95: {  	[sflag:s16] =	ssyncadd.s32 $0xFFFFFFFF  }
0x96: {  	s17 =	sld [smem:$0x10];
	(tm) =	ssettm $0x1  }
0x97: {  	s18 =	sld [smem:$0x3FFB];
	_ =	sdelay $0x3  }
0x98: {  	_ =	strace s18  }
0x99: {  	s2 =	sld [smem:$0x3FFC];
	_ =	sdelay $0x3  }
0x9a: {  	_ =	strace s2  }
0x9b: {  	s2 =	sld [smem:$0x3FFD];
	_ =	sdelay $0x3  }
0x9c: {  	_ =	strace s2  }
0x9d: {  	_ =	strace $0x8FFFFFFF  }
0x9e: {  	s19 =	sld [smem:$0x3FDB];
	_ =	sdelay $0x1  }
0x9f: {  	s20 =	simm.s32 $_scs_section_size  }
0xa0: {  	s5 =	simm.s32 $_size__tile_overlayer_lowered;
	s6 =	simm.s32 $_tile_overlayer_lowered  }
0xa1: {  	s7 =	simm.s32 $0x1BFF;
	s21 =	sshll.u32 s6, $0x1;
	s4 =	sadd.s32 s20, s19  }
0xa2: {  	s22 =	simm.s32 $0x0;
	s5 =	sshll.u32 s5, $0x1;
	s6 =	sadd.s32 s21, s4  }
0xa3: {  	[timem:s22], [sflag:s7] =	dma.local [hbm:s6], s5  }
0xa4: {  	_ =	swait.ge [sflag:s7], s5  }
0xa5: {  	s5 =	ssub.s32 $0x0, s5;
	[sflag:s7] =	ssyncset.done $0x0  }
0xa6: {  	[sflag:s7] =	ssyncadd.s32 s5;
	_ =	sdelay $0x1  }
0xa7: {  	s23 =	simm.s32 $0x1B8B  }
0xa8: {  	_ =	swait.ge [sflag:s23], $0x1  }
0xa9: {  	[sflag:s23] =	ssyncset.done $0x0  }
0xaa: {  	[sflag:s23] =	ssyncadd.s32 $0xFFFFFFFF  }
0xab: {  	s5 =	sld [smem:$0x0]  }
0xac: {  	s6 =	sand.u32 $0xFFFFFFFE, s1  }
0xad: {  	p0 =	sne.s32 s1, s6  }
0xae: {  	s6 =	sshll.u32 @p0 s6, $0xE  }
0xaf: {  	s6 =	sadd.s32 @p0 $0x11B8D, s6;
	s7 =	sshll.u32 @p0 s5, $0x11  }
0xb0: {  	s6 =	sor.u32 @p0 s7, s6  }
0xb1: {  	[sflag:s6] =	ssyncadd.remote.s32 @p0 $0x1;
	_ =	sdelay $0x1  }
0xb2: {  	s6 =	simm.s32 @p0 $0x1B8D  }
0xb3: {  	_ =	swait.eq @p0 [sflag:s6], $0x1  }
0xb4: {  	[sflag:s6] =	ssyncadd.s32 @p0 $0xFFFFFFFF  }
0xb5: {  	s7 =	sshll.u32 @!p0 s1, $0xE  }
0xb6: {  	s7 =	sor.u32 @!p0 $0x4000, s7;
	s6 =	simm.s32 @!p0 $0x1B8D  }
0xb7: {  	s5 =	sshll.u32 @!p0 s5, $0x11;
	s7 =	sadd.s32 @!p0 $0x11B8D, s7;
	_ =	swait.eq @!p0 [sflag:s6], $0x1  }
0xb8: {  	s5 =	sor.u32 @!p0 s5, s7;
	[sflag:s6] =	ssyncadd.s32 @!p0 $0xFFFFFFFF  }
0xb9: {  	s25 =	simm.s32 $0x1B8E;
	s24 =	sld [smem:$0x3FFE];
	[sflag:s5] =	ssyncadd.remote.s32 @!p0 $0x1  }
0xba: {  	s26 =	simm.s32 $execute0_lowered;
	[smem:$0x3FD2] =	sst s25  }
0xbb: {  	s6 =	sshll.u32 s26, $0x1;
	_ =	strace $0x8000004C;
	[dreg:$0x1] =	wrdreg $0xFFFFFFFF  }
0xbc: {  	s28 =	simm.s32 $_size_execute0_lowered;
	s4 =	sadd.s32 s4, s6;
	[dreg:$0x0] =	wrdreg $0x0  }
0xbd: {  	s6 =	sshll.u32 s28, $0x1;
	[dreg:$0x2] =	wrdreg s4  }
0xbe: {  	[dreg:$0x3] =	wrdreg s6  }
0xbf: {  	[dreg:$0x4] =	wrdreg $0xC0  }
0xc0: {  	_ =	task [dreg:s22], $0x5FFFF  }
0xc1: {  	[dreg:$0x1] =	wrdreg $0xFFFFFFFF  }
0xc2: {  	[dreg:$0x0] =	wrdreg $0x60  }
0xc3: {  	[dreg:$0x2] =	wrdreg s24  }
0xc4: {  	[dreg:$0x3] =	wrdreg s17  }
0xc5: {  	[dreg:$0x4] =	wrdreg $0xA  }
0xc6: {  	_ =	task.clear_ibuf [dreg:s22], $0x5FFFF;
	_ =	strace $0x9000004C  }
0xc7: {  	s29 =	simm.s32 $0xA;
	_ =	strace $0x8000004E  }
0xc8: {  	_ =	swait.ge [sflag:s29], $0x1  }
0xc9: {  	[sflag:s29] =	ssyncadd.s32 $0xFFFFFFFF  }
0xca: {  	_ =	strace $0x9000004E  }
0xcb: {  	_ =	sfence  }
0xcc: {  	s30 =	sld [smem:$0x0];
	_ =	sdelay $0x2  }
0xcd: {  	s31 =	sshll.u32 s1, $0xD;
	s1 =	sshrl.u32 s1, $0x2  }
0xce: {  	s4 =	sand.u32 $0x4000, s31;
	s1 =	sadd.s32 s1, s30  }
0xcf: {  	s0 =	sor.u32 s4, s0;
	s1 =	sshll.u32 s1, $0x11  }
0xd0: {  	s0 =	sor.u32 s1, s0  }
0xd1: {  	s0 =	sadd.s32 $0x8F2B, s0  }
0xd2: {  	[sflag:s0] =	ssyncadd.remote.s32 $0x1  }
0xd3: {  	_ =	sfence.sel $0xFFFF  }
0xd4: {  	[dreg:$0x0] =	wrdreg $0xFFFFFFFF;
	(pc) =	sbr.abs _section_cstart, $3  }
0xd5: {  	[dreg:$0x1] =	wrdreg $0xFFFFFFFF  }
0xd6: {  	_ =	task.clear_ibuf [dreg:s22], $0x2FFFF;
	_ =	strace $0x9FFFFFFF  }
0xd7: {  	(tm) =	ssettm $0x7FFFFFFF  }
tec
execute0_lowered:
.L_overlay_start_1:
0x0: {  	(tag) =	ssettag $0x1  }
0x1: {  	s0 =	srdreg.scid  }
0x2: {  	s1 =	sshll.u32 s0, $0x4  }
0x3: {  	s0 =	stileid.u32;
	s1 =	sand.u32 $0x10, s1  }
0x4: {  	s2 =	sor.u32 s0, s1  }
0x5: {  	s1 =	smin.u32 s2, $0x12  }
0x6: {  	s1 =	sadd.s32 s2, s1  }
0x7: {  	p0 =	slt.u32 s2, $0x12;
	s2 =	simm.s32 $0x320;
	s1 =	smul.u32 $0x190, s1  }
0x8: {  	s2 =	simm.s32 @!p0 $0x190  }
0x9: {  	s2 =	sadd.s32 s2, s1  }
0xa: {  	s3 =	smin.u32 s2, $0x4E20  }
0xb: {  	s7 =	ssub.s32 s3, s1  }
0xc: {  	p0 =	sgt.s32 s7, $0x0  }
0xd: {  	s7 =	simm.s32 @!p0 $0x0  }
0xe: {  	s31 =	sand.u32 $0xFFF0, s7  }
0xf: {  	s2 =	sshrl.u32 s31, $0x4  }
0x10: {  	s9 =	rddreg [dreg:$0x0];
	s2 =	smul.u32 $0xA3E, s2  }
0x11: {  	s4 =	rddreg [dreg:$0x1];
	s6 =	simm.s32 $0x1  }
0x12: {  	s11 =	simm.s32 $0x3;
	s13 =	simm.s32 $0x0;
	s8 =	sshrl.u32 s2, $0x10  }
0x13: {  	s12 =	simm.s32 $0x0;
	s5 =	sadd.s32 $0x284A00, s9;
	s10 =	smul.u32 $0x190, s8  }
.Ltmp0:
0x14: {  	s9 =	sadd.s32 $0x543C00, s9;
	s2 =	rddreg [dreg:$0x2];
	(pc) =	sbr.rel .LBB2_1-.Ltmp0, $4  }
0x15: {  	_ =	strace $0x8000004D;
	p0 =	sne.s32 s7, s10;
	s10 =	simm.s32 $0x1  }
0x16: {  	[sflag:s6] =	ssyncpa.u1 $0x0;
	s7 =	simm.s32 $0x2;
	s10 =	simm.s32 @!p0 $0x0  }
0x17: {  	[sflag:s7] =	ssyncpa.u1 $0x0;
	p0 =	por $0x0, $0x0;
	s8 =	sadd.s32 s8, s10  }
0x18: {  	vm0 =	vmmov $0xff;
	vm1 =	vcmask $0x3F20;
	[sflag:s11] =	ssyncpa.u1 $0x0;
	s11 =	smov.u32 s1;
	s10 =	sadd.s32 $0x1, s8  }
.LBB2_6:
0x19: {  	[hbm:s17] =	stream.linear.scatter [tilespmem:s14], [sflag:$0x3], $0x400, $0x38;
	[tilespmem:$0x19320] =	vst v63  }
.LBB2_7:
0x1a: {  	s13 =	sadd.s32 $0x190, s11  }
0x1b: {  	s15 =	smov.u32 s1;
	p2 =	slt.s32 s13, s3  }
0x1c: {  	s15 =	smov.u32 @p2 s13;
	p2 =	sne.s32 s12, s10  }
.Ltmp1:
0x1d: {  	p1 =	slt.u32 s12, $0x2;
	(pc) =	sbr.rel @!p2 .LBB2_8-.Ltmp1, $4  }
0x1e: {  	s14 =	simm.s32 @!p1 $0x3  }
0x1f: {  	s16 =	sadd.s32 $0x1, s12;
	_ =	swait.ge @!p1 [sflag:s14], $0xC800  }
0x20: {  	p0 =	por !p0, !p0;
	s13 =	smov.u32 s11;
	[sflag:s14] =	ssyncset.done @!p1 $0x0  }
0x21: {  	s12 =	smov.u32 s16;
	s11 =	smov.u32 s15;
	[sflag:s14] =	ssyncadd.s32 @!p1 $0xFFFF3800  }
.LBB2_1:
0x22: {  	p1 =	sge.u32 s12, s8  }
0x23: {  	s14 =	sxor.u32 @!p1 $0xFFFFFFFF, s12  }
0x24: {  	s14 =	sand.u32 @!p1 $0x1, s14  }
0x25: {  	s14 =	smul.u32 @!p1 $0x640, s14  }
0x26: {  	s31 =	sadd.s32 $0xFFFFFFFF, s12;
	s15 =	sshrl.u32 @!p1 s11, $0x3  }
0x27: {  	s16 =	sand.u32 @!p1 $0x7, s11;
	s15 =	sadd.s32 @!p1 s4, s15;
	s14 =	sshrl.u32 @!p1 s14, $0x2  }
0x28: {  	[tilespmem:s14], [sflag:$0x2] =	stream.linear.gather @!p1 [hbm4b:s15+s16], $0x190, $0x38;
	[tilespmem:$0x19320] =	vst v63  }
0x29: {  	p1 =	sge.u32 s31, s8  }
.Ltmp2:
0x2a: {  	_ = 	snop;
	(pc) =	sbr.rel @p1 .LBB2_7-.Ltmp2, $1  }
0x2b: {  	_ =	sdelay $0x3  }
0x2c: {  	s14 =	simm.s32 $0x1  }
0x2d: {  	s14 =	simm.s32 @!p0 $0x0  }
0x2e: {  	s15 =	smul.u32 $0x640, s14  }
0x2f: {  	_ =	swait.ge [sflag:s7], $0x190  }
0x30: {  	[sflag:s7] =	ssyncset.done $0x0;
	s16 =	sshrl.u32 s15, $0x2  }
0x31: {  	[sflag:s7] =	ssyncadd.s32 $0xFFFFFE70;
	s15 =	sadd.s32 $0x0, s16  }
0x32: {  	v0 =	vld.msk [tilespmem:s15+$0x0 ss:$0x1], $0xffff;
	_ =	sdelay $0x4  }
0x33: {  	vm2 =	vgt.s32 v0, $0x0  }
0x34: {  	v0 =	vnsel vm2, $0x0, v0  }
0x35: {  	v0 =	vmin.u32 v0, $0x4E1F  }
0x36: {  	v0 =	vshll.u32 v0, $0x4  }
0x37: {  	s14 =	smul.u32 $0x32000, s14;
	_ =	sdelay $0x1  }
0x38: {  	s14 =	sshrl.u32 s14, $0x2  }
0x39: {  	s14 =	sor.u32 $0x320, s14  }
0x3a: {  	[tilespmem:s14], [sflag:$0x1] =	stream.indirect_vreg.gather [hbm:s5], $0x80, v0, vm0, $0x38;
	[tilespmem:$0x19320] =	vst v63  }
0x3b: {  	s17 =	sadd.s32 $0x10, s16;
	s15 =	sadd.s32 $0x400, s14  }
0x3c: {  	[tilespmem:s15], [sflag:$0x1] =	stream.indirect_vreg.gather [hbm:s5], $0x80, v0, vm1, $0x38;
	[tilespmem:$0x19320] =	vst v63  }
0x3d: {  	s18 =	simm.s32 $0x80;
	v0 =	vld.msk [tilespmem:s17+$0x0 ss:$0x1], $0xffff;
	s17 =	smov.u32 s14  }
.LBB2_3:
0x3e: {  	p1 =	sne.s32 s18, $0x600;
	_ =	sdelay $0x4  }
0x3f: {  	vm2 =	vgt.s32 v0, $0x0  }
0x40: {  	v0 =	vnsel vm2, $0x0, v0  }
0x41: {  	v0 =	vmin.u32 v0, $0x4E1F  }
0x42: {  	v0 =	vshll.u32 v0, $0x4;
	_ =	sdelay $0x3  }
.Ltmp3:
0x43: {  	s19 =	sshra.s32 s18, $0x2;
	s17 =	sadd.s32 $0x800, s17;
	(pc) =	sbr.rel @p1 .LBB2_3-.Ltmp3, $4  }
0x44: {  	[tilespmem:s17], [sflag:$0x1] =	stream.indirect_vreg.gather [hbm:s5], $0x80, v0, vm0, $0x38;
	[tilespmem:$0x19320] =	vst v63  }
0x45: {  	s19 =	sadd.s32 s19, s16;
	s20 =	sadd.s32 $0x400, s17  }
0x46: {  	[tilespmem:s20], [sflag:$0x1] =	stream.indirect_vreg.gather [hbm:s5], $0x80, v0, vm1, $0x38;
	[tilespmem:$0x19320] =	vst v63  }
0x47: {  	s18 =	sadd.s32 $0x40, s18;
	v0 =	vld.msk [tilespmem:s19+$0x0 ss:$0x1], $0xffff  }
0x48: {  	_ =	sdelay $0x3  }
0x49: {  	vm2 =	vgt.s32 v0, $0x0  }
0x4a: {  	v0 =	vnsel vm2, $0x0, v0  }
0x4b: {  	v0 =	vmin.u32 v0, $0x4E1F  }
0x4c: {  	v0 =	vshll.u32 v0, $0x4;
	_ =	sdelay $0x3  }
0x4d: {  	s16 =	sadd.s32 $0x800, s17  }
0x4e: {  	[tilespmem:s16], [sflag:$0x1] =	stream.indirect_vreg.gather [hbm:s5], $0x80, v0, vm0, $0x38;
	[tilespmem:$0x19320] =	vst v63  }
0x4f: {  	s16 =	sadd.s32 $0x400, s16  }
0x50: {  	[tilespmem:s16], [sflag:$0x1] =	stream.indirect_vreg.gather [hbm:s5], $0x80, v0, vm1, $0x38;
	[tilespmem:$0x19320] =	vst v63  }
0x51: {  	s13 =	sshll.u32 s13, $0x4;
	_ =	swait.ge [sflag:s6], $0xC800  }
0x52: {  	s13 =	sadd.s32 s13, s9;
	[sflag:s6] =	ssyncset.done $0x0  }
0x53: {  	s17 =	sadd.s32 $0x0, s13;
	s16 =	simm.s32 $0x80;
	[sflag:s6] =	ssyncadd.s32 $0xFFFF3800  }
.LBB2_5:
0x54: {  	[hbm:s17] =	stream.linear.scatter [tilespmem:s14], [sflag:$0x3], $0x400, $0x38;
	[tilespmem:$0x19320] =	vst v63  }
0x55: {  	s17 =	smov.u32 s16;
	s14 =	smov.u32 s15;
	p1 =	sne.s32 s16, $0x1880  }
.Ltmp4:
0x56: {  	s16 =	sadd.s32 $0x80, s16;
	(pc) =	sbr.rel @p1 .LBB2_5-.Ltmp4, $2  }
0x57: {  	_ =	sdelay $0x2  }
0x58: {  	s15 =	sadd.s32 $0x400, s15;
	s17 =	sadd.s32 s17, s13  }
.Ltmp5:
0x59: {  	_ = 	snop;
	(pc) =	sbr.rel .LBB2_6-.Ltmp5, $1  }
0x5a: {  	_ =	sdelay $0x3  }
.LBB2_8:
0x5b: {  	_ =	sfence.sel $0x180000  }
0x5c: {  	s1 =	simm.s32 $0x2;
	[bflag:$0x0] =	sbarrier.arrive $0xFFFF  }
0x5d: {  	s30 =	simm.s32 $0x3;
	[sflag:s1] =	ssyncpa.u1 $0x1  }
0x5e: {  	s31 =	simm.s32 $0x1;
	[sflag:s30] =	ssyncpa.u1 $0x1  }
0x5f: {  	[sflag:s31] =	ssyncpa.u1 $0x1  }
0x60: {  	p0 =	sne.s32 s0, $0x0;
	_ =	strace $0x9000004D  }
0x61: {  	s0 =	sadd.s32 @!p0 $0x100000, s2;
	[bflag:$0x2] =	sbarrier.arrive $0xFFFF  }
0x62: {  	[sflag:s0] =	ssyncadd.tile.s32 @!p0 $0x1;
	_ =	shalt  }
.Lfunc_end2:
_tile_overlayer_lowered:
.L_overlay_start_2:
0x63: {  	(tag) =	ssettag $0x2  }
0x64: {  	s0 =	rddreg [dreg:$0x0];
	s2 =	stileid.u32  }
0x65: {  	s1 =	rddreg [dreg:$0x1];
	p0 =	sne.s32 s2, $0x0  }
0x66: {  	s3 =	rddreg [dreg:$0x2];
	[bflag:$0x3] =	sbarrier.arrive $0xFFFF;
	s2 =	simm.s32 @!p0 $0x1C01  }
0x67: {  	[timem:s3], [sflag:s2] =	dma.local @!p0 [hbm:s0], s1  }
0x68: {  	s0 =	simm.s32 @!p0 $0x1  }
0x69: {  	_ =	swait.ge @!p0 [sflag:s0], s1  }
0x6a: {  	s1 =	ssub.s32 @!p0 $0x0, s1;
	[sflag:s0] =	ssyncset.done @!p0 $0x0  }
0x6b: {  	[sflag:s0] =	ssyncadd.s32 @!p0 s1  }
0x6c: {  	[bflag:$0x3] =	sbarrier.arrive $0xFFFF  }
0x6d: {  	_ =	shalt  }

// kernel: gather_offload_async_start.2
scs
__scs_entry_jumppad:
0x0: {  	(pc) =	sbr.rel $0x88, $3  }
0x1: {  	(tag) =	ssettag $0x0;
	lr =	simm.s32 $0x1  }
0x2: {  	[smem:$0x3F92] =	sst lr;
	_ =	strace $0xD0000000  }
0x3: {  	_ = 	snop  }
0x4: {  	_ = 	snop  }
0x5: {  	_ = 	snop  }
0x6: {  	_ = 	snop  }
0x7: {  	_ = 	snop  }
__scs_overlays_trampoline_lowered:
0x8: {  	[smem:$0x3FA1] =	sst s0  }
0x9: {  	[smem:$0x3FA2] =	sst s1  }
0xa: {  	[smem:$0x3FA3] =	sst s2  }
0xb: {  	[smem:$0x3FA4] =	sst s3  }
0xc: {  	[smem:$0x3FA5] =	sst s4  }
0xd: {  	[smem:$0x3FA6] =	sst s5  }
0xe: {  	[smem:$0x3FA7] =	sst s6  }
0xf: {  	[smem:$0x3FA8] =	sst s7  }
0x10: {  	[smem:$0x3FA9] =	sst s8  }
0x11: {  	[smem:$0x3FAA] =	sst s9;
	s0 =	simm.s32 @!p0 $0x0  }
0x12: {  	s1 =	sld [smem:$0x3F90];
	s0 =	simm.s32 @p0 $0x1  }
0x13: {  	[smem:$0x3FAB] =	sst s0;
	s0 =	simm.s32 @!p1 $0x0  }
0x14: {  	s2 =	sld [smem:$0x3F8F];
	s0 =	simm.s32 @p1 $0x1  }
0x15: {  	[smem:$0x3FAC] =	sst s0;
	s0 =	simm.s32 @!p2 $0x0  }
0x16: {  	s3 =	sld [smem:$0x3FDB];
	s0 =	simm.s32 @p2 $0x1  }
0x17: {  	s4 =	simm.s32 $0x1BF5;
	[smem:$0x3FAE] =	sst s0  }
0x18: {  	s0 =	sld [smem:$0x3F91];
	_ =	swait.ge [sflag:s4], $0x0  }
0x19: {  	s7 =	sld [smem:$0x3F92]  }
0x1a: {  	s8 =	sadd.s32 $0xFFFFE003, lr  }
0x1b: {  	s9 =	sadd.s32 $0xFFFFFEF7, lr;
	s5 =	simm.s32 $0xFFFFFFFF;
	p2 =	slt.u32 s8, $0xFFFFF086  }
0x1c: {  	p1 =	slt.u32 s9, $0xF7A;
	s5 =	simm.s32 @!p2 $0x0  }
0x1d: {  	s5 =	simm.s32 @p1 $0x1;
	p0 =	seq.s32 s7, s2  }
0x1e: {  	s7 =	smul.u32 @!p0 $0xF7A, s2;
	p2 =	seq.s32 @!p0 s5, $0x0  }
0x1f: {  	s9 =	smul.u32 $0xF7A, s1;
	s8 =	simm.s32 @!p0 $0x1BF5;
	p2 =	por !p2, p0  }
0x20: {  	[sflag:s8] =	ssyncset.s32 @!p0 $0xFFFFF086;
	s6 =	sadd.s32 @!p0 s3, s7;
	s7 =	simm.s32 @!p0 $0x108  }
0x21: {  	s3 =	sadd.s32 s3, s9;
	s6 =	sadd.s32 @!p0 $0x88, s6;
	s7 =	simm.s32 @p2 $0x1082  }
0x22: {  	[simem:s7], [sflag:s8] =	dma.local @!p0 [hbm:s6], $0xF7A  }
0x23: {  	s9 =	sor.u32 $0xD0000000, s2;
	s6 =	simm.s32 $0x108;
	_ =	swait.ge @!p0 [sflag:s8], $0x0  }
0x24: {  	s3 =	sadd.s32 $0x88, s3;
	s6 =	simm.s32 @!p1 $0x1082;
	[sflag:s4] =	ssyncset.s32 $0xFFFFF086  }
0x25: {  	[simem:s6], [sflag:s4] =	dma.local [hbm:s3], $0xF7A  }
0x26: {  	[smem:$0x3F92] =	sst s1;
	(tag) =	ssettag s2;
	_ =	strace s9  }
0x27: {  	s1 =	sld [smem:$0x3FA2]  }
0x28: {  	s2 =	sld [smem:$0x3FA3]  }
0x29: {  	s4 =	sld [smem:$0x3FA5]  }
0x2a: {  	p0 =	seq.s32 s5, $0x0;
	s5 =	sld [smem:$0x3FA6]  }
0x2b: {  	s6 =	sld [smem:$0x3FA7]  }
0x2c: {  	s7 =	sld [smem:$0x3FA8]  }
0x2d: {  	s3 =	simm.s32 $0x108;
	s8 =	sld [smem:$0x3FA9]  }
0x2e: {  	s3 =	simm.s32 @!p0 $0x1082;
	s9 =	sld [smem:$0x3FAA]  }
0x2f: {  	lr =	sadd.s32 s0, s3;
	s0 =	sld [smem:$0x3FA1]  }
0x30: {  	s3 =	sld [smem:$0x3FA4]  }
0x31: {  	[smem:$0x3FAD] =	sst s10  }
0x32: {  	s10 =	sld [smem:$0x3FAB];
	_ =	sdelay $0x3  }
0x33: {  	p0 =	seq.s32 s10, $0x1;
	s10 =	sld [smem:$0x3FAD];
	_ =	sdelay $0x3  }
0x34: {  	[smem:$0x3FAD] =	sst s10  }
0x35: {  	s10 =	sld [smem:$0x3FAC];
	_ =	sdelay $0x3  }
0x36: {  	p1 =	seq.s32 s10, $0x1;
	s10 =	sld [smem:$0x3FAD];
	_ =	sdelay $0x3  }
0x37: {  	[smem:$0x3FAD] =	sst s10  }
0x38: {  	s10 =	sld [smem:$0x3FAE]  }
0x39: {  	_ = 	snop;
	(pc) =	sbr.ind lr, $3  }
0x3a: {  	_ = 	snop  }
0x3b: {  	_ = 	snop  }
0x3c: {  	p2 =	seq.s32 s10, $0x1;
	s10 =	sld [smem:$0x3FAD]  }
0x3d: {  	_ =	shalt  }
0x3e: {  	_ =	shalt  }
0x3f: {  	_ =	shalt  }
0x40: {  	_ =	shalt  }
0x41: {  	_ =	shalt  }
0x42: {  	_ =	shalt  }
0x43: {  	_ =	shalt  }
0x44: {  	_ =	shalt  }
0x45: {  	_ =	shalt  }
0x46: {  	_ =	shalt  }
0x47: {  	_ =	shalt  }
0x48: {  	_ =	shalt  }
0x49: {  	_ =	shalt  }
0x4a: {  	_ =	shalt  }
0x4b: {  	_ =	shalt  }
0x4c: {  	_ =	shalt  }
0x4d: {  	_ =	shalt  }
0x4e: {  	_ =	shalt  }
0x4f: {  	_ =	shalt  }
0x50: {  	_ =	shalt  }
0x51: {  	_ =	shalt  }
0x52: {  	_ =	shalt  }
0x53: {  	_ =	shalt  }
0x54: {  	_ =	shalt  }
0x55: {  	_ =	shalt  }
0x56: {  	_ =	shalt  }
0x57: {  	_ =	shalt  }
0x58: {  	_ =	shalt  }
0x59: {  	_ =	shalt  }
0x5a: {  	_ =	shalt  }
0x5b: {  	_ =	shalt  }
0x5c: {  	_ =	shalt  }
0x5d: {  	_ =	shalt  }
0x5e: {  	_ =	shalt  }
0x5f: {  	_ =	shalt  }
0x60: {  	_ =	shalt  }
0x61: {  	_ =	shalt  }
0x62: {  	_ =	shalt  }
0x63: {  	_ =	shalt  }
0x64: {  	_ =	shalt  }
0x65: {  	_ =	shalt  }
0x66: {  	_ =	shalt  }
0x67: {  	_ =	shalt  }
0x68: {  	_ =	shalt  }
0x69: {  	_ =	shalt  }
0x6a: {  	_ =	shalt  }
0x6b: {  	_ =	shalt  }
0x6c: {  	_ =	shalt  }
0x6d: {  	_ =	shalt  }
0x6e: {  	_ =	shalt  }
0x6f: {  	_ =	shalt  }
0x70: {  	_ =	shalt  }
0x71: {  	_ =	shalt  }
0x72: {  	_ =	shalt  }
0x73: {  	_ =	shalt  }
0x74: {  	_ =	shalt  }
0x75: {  	_ =	shalt  }
0x76: {  	_ =	shalt  }
0x77: {  	_ =	shalt  }
0x78: {  	_ =	shalt  }
0x79: {  	_ =	shalt  }
0x7a: {  	_ =	shalt  }
0x7b: {  	_ =	shalt  }
0x7c: {  	_ =	shalt  }
0x7d: {  	_ =	shalt  }
0x7e: {  	_ =	shalt  }
0x7f: {  	_ =	shalt  }
0x80: {  	_ =	shalt  }
0x81: {  	_ =	shalt  }
0x82: {  	_ =	shalt  }
0x83: {  	_ =	shalt  }
0x84: {  	_ =	shalt  }
0x85: {  	_ =	shalt  }
0x86: {  	_ =	shalt  }
0x87: {  	_ =	shalt  }
.Lfunc_end0:
.L_simem_size_0:
called_computation.2_lowered:
.L_overlay_start_0:
0x88: {  	s2 =	sld [smem:$0x3FD9]  }
0x89: {  	s3 =	sld [smem:$0x3FFE];
	_ =	sdelay $0x1  }
0x8a: {  	s1 =	srdreg.scid  }
0x8b: {  	s0 =	sand.u32 $0x1, s1  }
0x8c: {  	s15 =	sshll.u32 s0, $0xA;
	s2 =	sadd.s32 s3, s2  }
0x8d: {  	s2 =	sadd.s32 s2, s15  }
0x8e: {  	[smem:$0x3FB9] =	sst s2  }
0x8f: {  	_ = 	snop  }
0x90: {  	s2 =	sld [smem:$0x3FD0];
	_ =	sdelay $0x2  }
0x91: {  	s16 =	simm.s32 $0xC;
	s4 =	simm.s32 $0x10  }
0x92: {  	[smem:s4], [sflag:s16] =	dma.local [hbm:s2], $0x1  }
0x93: {  	_ =	swait.eq [sflag:s16], $0x1  }
0x94: {  	[sflag:s16] =	ssyncset.done $0x0  }
0x95: {  	[sflag:s16] =	ssyncadd.s32 $0xFFFFFFFF  }
0x96: {  	s17 =	sld [smem:$0x10];
	(tm) =	ssettm $0x1  }
0x97: {  	s18 =	sld [smem:$0x3FFB];
	_ =	sdelay $0x3  }
0x98: {  	_ =	strace s18  }
0x99: {  	s2 =	sld [smem:$0x3FFC];
	_ =	sdelay $0x3  }
0x9a: {  	_ =	strace s2  }
0x9b: {  	s2 =	sld [smem:$0x3FFD];
	_ =	sdelay $0x3  }
0x9c: {  	_ =	strace s2  }
0x9d: {  	_ =	strace $0x8FFFFFFF  }
0x9e: {  	s19 =	sld [smem:$0x3FDB];
	_ =	sdelay $0x1  }
0x9f: {  	s20 =	simm.s32 $_scs_section_size  }
0xa0: {  	s5 =	simm.s32 $_size__tile_overlayer_lowered;
	s6 =	simm.s32 $_tile_overlayer_lowered  }
0xa1: {  	s7 =	simm.s32 $0x1BFF;
	s21 =	sshll.u32 s6, $0x1;
	s4 =	sadd.s32 s20, s19  }
0xa2: {  	s22 =	simm.s32 $0x0;
	s5 =	sshll.u32 s5, $0x1;
	s6 =	sadd.s32 s21, s4  }
0xa3: {  	[timem:s22], [sflag:s7] =	dma.local [hbm:s6], s5  }
0xa4: {  	_ =	swait.ge [sflag:s7], s5  }
0xa5: {  	s5 =	ssub.s32 $0x0, s5;
	[sflag:s7] =	ssyncset.done $0x0  }
0xa6: {  	[sflag:s7] =	ssyncadd.s32 s5;
	_ =	sdelay $0x1  }
0xa7: {  	s23 =	simm.s32 $0x1B8B  }
0xa8: {  	_ =	swait.ge [sflag:s23], $0x1  }
0xa9: {  	[sflag:s23] =	ssyncset.done $0x0  }
0xaa: {  	[sflag:s23] =	ssyncadd.s32 $0xFFFFFFFF  }
0xab: {  	s5 =	sld [smem:$0x0]  }
0xac: {  	s6 =	sand.u32 $0xFFFFFFFE, s1  }
0xad: {  	p0 =	sne.s32 s1, s6  }
0xae: {  	s6 =	sshll.u32 @p0 s6, $0xE  }
0xaf: {  	s6 =	sadd.s32 @p0 $0x11B8D, s6;
	s7 =	sshll.u32 @p0 s5, $0x11  }
0xb0: {  	s6 =	sor.u32 @p0 s7, s6  }
0xb1: {  	[sflag:s6] =	ssyncadd.remote.s32 @p0 $0x1;
	_ =	sdelay $0x1  }
0xb2: {  	s6 =	simm.s32 @p0 $0x1B8D  }
0xb3: {  	_ =	swait.eq @p0 [sflag:s6], $0x1  }
0xb4: {  	[sflag:s6] =	ssyncadd.s32 @p0 $0xFFFFFFFF  }
0xb5: {  	s7 =	sshll.u32 @!p0 s1, $0xE  }
0xb6: {  	s7 =	sor.u32 @!p0 $0x4000, s7;
	s6 =	simm.s32 @!p0 $0x1B8D  }
0xb7: {  	s5 =	sshll.u32 @!p0 s5, $0x11;
	s7 =	sadd.s32 @!p0 $0x11B8D, s7;
	_ =	swait.eq @!p0 [sflag:s6], $0x1  }
0xb8: {  	s5 =	sor.u32 @!p0 s5, s7;
	[sflag:s6] =	ssyncadd.s32 @!p0 $0xFFFFFFFF  }
0xb9: {  	s25 =	simm.s32 $0x1B8E;
	s24 =	sld [smem:$0x3FFE];
	[sflag:s5] =	ssyncadd.remote.s32 @!p0 $0x1  }
0xba: {  	s26 =	simm.s32 $execute0_lowered;
	[smem:$0x3FD2] =	sst s25  }
0xbb: {  	s6 =	sshll.u32 s26, $0x1;
	_ =	strace $0x80000049;
	[dreg:$0x1] =	wrdreg $0xFFFFFFFF  }
0xbc: {  	s28 =	simm.s32 $_size_execute0_lowered;
	s4 =	sadd.s32 s4, s6;
	[dreg:$0x0] =	wrdreg $0x0  }
0xbd: {  	s6 =	sshll.u32 s28, $0x1;
	[dreg:$0x2] =	wrdreg s4  }
0xbe: {  	[dreg:$0x3] =	wrdreg s6  }
0xbf: {  	[dreg:$0x4] =	wrdreg $0xC0  }
0xc0: {  	_ =	task [dreg:s22], $0x5FFFF  }
0xc1: {  	[dreg:$0x1] =	wrdreg $0xFFFFFFFF  }
0xc2: {  	[dreg:$0x0] =	wrdreg $0x60  }
0xc3: {  	[dreg:$0x2] =	wrdreg s24  }
0xc4: {  	[dreg:$0x3] =	wrdreg s17  }
0xc5: {  	[dreg:$0x4] =	wrdreg $0xB  }
0xc6: {  	_ =	task.clear_ibuf [dreg:s22], $0x5FFFF;
	_ =	strace $0x90000049  }
0xc7: {  	s29 =	simm.s32 $0xB;
	_ =	strace $0x8000004B  }
0xc8: {  	_ =	swait.ge [sflag:s29], $0x1  }
0xc9: {  	[sflag:s29] =	ssyncadd.s32 $0xFFFFFFFF  }
0xca: {  	_ =	strace $0x9000004B  }
0xcb: {  	_ =	sfence  }
0xcc: {  	s30 =	sld [smem:$0x0];
	_ =	sdelay $0x2  }
0xcd: {  	s31 =	sshll.u32 s1, $0xD;
	s1 =	sshrl.u32 s1, $0x2  }
0xce: {  	s4 =	sand.u32 $0x4000, s31;
	s1 =	sadd.s32 s1, s30  }
0xcf: {  	s0 =	sor.u32 s4, s0;
	s1 =	sshll.u32 s1, $0x11  }
0xd0: {  	s0 =	sor.u32 s1, s0  }
0xd1: {  	s0 =	sadd.s32 $0x8F2B, s0  }
0xd2: {  	[sflag:s0] =	ssyncadd.remote.s32 $0x1  }
0xd3: {  	_ =	sfence.sel $0xFFFF  }
0xd4: {  	[dreg:$0x0] =	wrdreg $0xFFFFFFFF;
	(pc) =	sbr.abs _section_cstart, $3  }
0xd5: {  	[dreg:$0x1] =	wrdreg $0xFFFFFFFF  }
0xd6: {  	_ =	task.clear_ibuf [dreg:s22], $0x2FFFF;
	_ =	strace $0x9FFFFFFF  }
0xd7: {  	(tm) =	ssettm $0x7FFFFFFF  }
tec
execute0_lowered:
.L_overlay_start_1:
0x0: {  	(tag) =	ssettag $0x1  }
0x1: {  	s2 =	rddreg [dreg:$0x0]  }
0x2: {  	s3 =	rddreg [dreg:$0x1];
	s1 =	stileid.u32  }
0x3: {  	s4 =	srdreg.scid;
	s0 =	rddreg [dreg:$0x2];
	_ =	strace $0x8000004A  }
0x4: {  	s7 =	simm.s32 $0x1;
	s8 =	simm.s32 $0x1;
	s9 =	simm.s32 $0x3  }
0x5: {  	s10 =	simm.s32 $0x0;
	s5 =	sand.u32 $0x1, s4;
	s6 =	sshll.u32 s1, $0x1  }
0x6: {  	s13 =	simm.s32 $0x0;
	s4 =	simm.s32 $0x1;
	s5 =	sor.u32 s6, s5  }
.Ltmp0:
0x7: {  	[sflag:s4] =	ssyncpa.u1 $0x0;
	p0 =	slt.u32 s5, $0x13;
	(pc) =	sbr.rel .LBB2_1-.Ltmp0, $4  }
0x8: {  	s6 =	simm.s32 $0x2;
	s7 =	simm.s32 @!p0 $0x0;
	p0 =	sne.s32 s5, $0x12  }
0x9: {  	[sflag:s6] =	ssyncpa.u1 $0x0;
	s5 =	smul.u32 $0x190, s5;
	s8 =	simm.s32 @!p0 $0x0  }
0xa: {  	s12 =	simm.s32 $0x0;
	[sflag:s9] =	ssyncpa.u1 $0x0;
	s7 =	sadd.s32 s8, s7  }
0xb: {  	vm0 =	vmmov $0xffff;
	s8 =	sadd.s32 $0x2000, s2;
	s11 =	smov.u32 s5;
	s9 =	sadd.s32 $0x1, s7  }
.LBB2_4:
0xc: {  	v2 =	vnsel vm1, $0x0, v2  }
0xd: {  	vm1 =	vgt.s32 v0, $0x0;
	v2 =	vmin.u32 v2, $0x4E1F  }
0xe: {  	v0 =	vnsel vm1, $0x0, v0  }
0xf: {  	v0 =	vmin.u32 v0, $0x4E1F  }
0x10: {  	[tilespmem:s18], [sflag:$0x1] =	stream.indirect_vreg.gather [hbm4b:s2+s10], $0x1, v1, vm0, $0x4038;
	[tilespmem:$0x640] =	vst v63  }
0x11: {  	(ifvalue) =	ssetifvalue $0x7FFFFFFF  }
0x12: {  	[tilespmem:s15], [sflag:$0x1] =	stream.indirect_vreg.gather [hbm4b:s2+s10], $0x1, v2, vm0, $0x4038;
	[tilespmem:$0x640] =	vst v63  }
0x13: {  	s29 =	sadd.s32 $0x10, s15;
	(ifvalue) =	ssetifvalue $0x7FFFFFFF  }
0x14: {  	[tilespmem:s29], [sflag:$0x1] =	stream.indirect_vreg.gather [hbm4b:s2+s10], $0x1, v0, vm0, $0x4038;
	[tilespmem:$0x640] =	vst v63  }
0x15: {  	_ =	swait.ge [sflag:s4], $0x190  }
0x16: {  	s30 =	sshrl.u32 s13, $0x3;
	[sflag:s4] =	ssyncset.done $0x0  }
0x17: {  	s31 =	sand.u32 $0x7, s13;
	s15 =	sadd.s32 s8, s30;
	[sflag:s4] =	ssyncadd.s32 $0xFFFFFE70  }
0x18: {  	[hbm4b:s15+s31] =	stream.linear.scatter [tilespmem:s14], [sflag:$0x3], $0x190, $0x38;
	[tilespmem:$0x640] =	vst v63  }
.LBB2_5:
0x19: {  	s15 =	sadd.s32 $0x3200, s11  }
0x1a: {  	p1 =	sgt.s32 s15, $0x4E1F  }
0x1b: {  	s15 =	smov.u32 @p1 s5;
	p1 =	sne.s32 s12, s9  }
.Ltmp1:
0x1c: {  	p0 =	slt.u32 s12, $0x2;
	(pc) =	sbr.rel @!p1 .LBB2_6-.Ltmp1, $4  }
0x1d: {  	s14 =	simm.s32 @!p0 $0x3  }
0x1e: {  	_ =	swait.ge @!p0 [sflag:s14], $0x190  }
0x1f: {  	s16 =	sadd.s32 $0x1, s12;
	s13 =	smov.u32 s11;
	[sflag:s14] =	ssyncset.done @!p0 $0x0  }
0x20: {  	s12 =	smov.u32 s16;
	s11 =	smov.u32 s15;
	[sflag:s14] =	ssyncadd.s32 @!p0 $0xFFFFFE70  }
.LBB2_1:
0x21: {  	p0 =	sge.u32 s12, s7  }
0x22: {  	s14 =	sxor.u32 @!p0 $0x1, s12  }
0x23: {  	s14 =	smul.u32 @!p0 $0x640, s14  }
0x24: {  	s31 =	sadd.s32 $0xFFFFFFFF, s12;
	s15 =	sshrl.u32 @!p0 s11, $0x3  }
0x25: {  	s16 =	sand.u32 @!p0 $0x7, s11;
	s15 =	sadd.s32 @!p0 s3, s15;
	s14 =	sshra.s32 @!p0 s14, $0x2  }
0x26: {  	[tilespmem:s14], [sflag:$0x2] =	stream.linear.gather @!p0 [hbm4b:s15+s16], $0x190, $0x38;
	[tilespmem:$0x640] =	vst v63  }
0x27: {  	p0 =	sge.u32 s31, s7  }
.Ltmp2:
0x28: {  	_ = 	snop;
	(pc) =	sbr.rel @p0 .LBB2_5-.Ltmp2, $1  }
0x29: {  	_ =	sdelay $0x3  }
0x2a: {  	s14 =	sand.u32 $0x1, s12  }
0x2b: {  	_ =	swait.ge [sflag:s6], $0x190;
	p0 =	seq.s32 s14, $0x1;
	s14 =	simm.s32 $0x190  }
0x2c: {  	[sflag:s6] =	ssyncset.done $0x0;
	s14 =	simm.s32 @!p0 $0x0  }
0x2d: {  	[sflag:s6] =	ssyncadd.s32 $0xFFFFFE70;
	(ifvalue) =	ssetifvalue $0x7FFFFFFF;
	v0 =	vld.msk [tilespmem:s14+$0x0 ss:$0x1], $0xffff;
	_ =	sdelay $0x4  }
0x2e: {  	s15 =	sadd.s32 $0x10, s14;
	vm1 =	vgt.s32 v0, $0x0  }
0x2f: {  	v2 =	vld.msk [tilespmem:s15+$0x0 ss:$0x1], $0xffff;
	v1 =	vnsel vm1, $0x0, v0  }
0x30: {  	v1 =	vmin.u32 v1, $0x4E1F;
	_ =	sdelay $0x2  }
0x31: {  	s17 =	simm.s32 $0x20;
	s14 =	sadd.s32 $0x320, s14;
	s16 =	sadd.s32 $0x10, s15  }
0x32: {  	s15 =	sadd.s32 $0x10, s14;
	s18 =	smov.u32 s14;
	v0 =	vld.msk [tilespmem:s16+$0x0 ss:$0x1], $0xffff;
	vm1 =	vgt.s32 v2, $0x0;
	(ifvalue) =	ssetifvalue $0x7FFFFFFF  }
.LBB2_3:
0x33: {  	[tilespmem:s18], [sflag:$0x1] =	stream.indirect_vreg.gather [hbm4b:s2+s10], $0x1, v1, vm0, $0x4038;
	[tilespmem:$0x640] =	vst v63  }
0x34: {  	s17 =	sadd.s32 $0x10, s17  }
0x35: {  	v2 =	vnsel vm1, $0x0, v2;
	p0 =	slt.u32 s17, $0x180  }
.Ltmp3:
0x36: {  	s18 =	smov.u32 s15;
	v1 =	vmin.u32 v2, $0x4E1F;
	(pc) =	sbr.rel @p0 .LBB2_3-.Ltmp3, $3  }
0x37: {  	_ =	sdelay $0x1  }
0x38: {  	s16 =	sadd.s32 $0x10, s16  }
0x39: {  	vm1 =	vgt.s32 v0, $0x0;
	s15 =	sadd.s32 $0x10, s15;
	v2 =	vmov v0;
	(ifvalue) =	ssetifvalue $0x7FFFFFFF;
	v0 =	vld.msk [tilespmem:s16+$0x0 ss:$0x1], $0xffff  }
.Ltmp4:
0x3a: {  	_ = 	snop;
	(pc) =	sbr.rel .LBB2_4-.Ltmp4, $1  }
0x3b: {  	_ =	sdelay $0x3  }
.LBB2_6:
0x3c: {  	_ =	sfence.sel $0x180000  }
0x3d: {  	s2 =	simm.s32 $0x2;
	[bflag:$0x0] =	sbarrier.arrive $0xFFFF  }
0x3e: {  	s30 =	simm.s32 $0x3;
	[sflag:s2] =	ssyncpa.u1 $0x1  }
0x3f: {  	s31 =	simm.s32 $0x1;
	[sflag:s30] =	ssyncpa.u1 $0x1  }
0x40: {  	[sflag:s31] =	ssyncpa.u1 $0x1  }
0x41: {  	p0 =	sne.s32 s1, $0x0;
	_ =	strace $0x9000004A  }
0x42: {  	s0 =	sadd.s32 @!p0 $0x100000, s0;
	[bflag:$0x2] =	sbarrier.arrive $0xFFFF  }
0x43: {  	[sflag:s0] =	ssyncadd.tile.s32 @!p0 $0x1;
	_ =	shalt  }
.Lfunc_end2:
_tile_overlayer_lowered:
.L_overlay_start_2:
0x44: {  	(tag) =	ssettag $0x2  }
0x45: {  	s0 =	rddreg [dreg:$0x0];
	s2 =	stileid.u32  }
0x46: {  	s1 =	rddreg [dreg:$0x1];
	p0 =	sne.s32 s2, $0x0  }
0x47: {  	s3 =	rddreg [dreg:$0x2];
	[bflag:$0x3] =	sbarrier.arrive $0xFFFF;
	s2 =	simm.s32 @!p0 $0x1C01  }
0x48: {  	[timem:s3], [sflag:s2] =	dma.local @!p0 [hbm:s0], s1  }
0x49: {  	s0 =	simm.s32 @!p0 $0x1  }
0x4a: {  	_ =	swait.ge @!p0 [sflag:s0], s1  }
0x4b: {  	s1 =	ssub.s32 @!p0 $0x0, s1;
	[sflag:s0] =	ssyncset.done @!p0 $0x0  }
0x4c: {  	[sflag:s0] =	ssyncadd.s32 @!p0 s1  }
0x4d: {  	[bflag:$0x3] =	sbarrier.arrive $0xFFFF  }
0x4e: {  	_ =	shalt  }

// kernel: gather_offload_async_start.3
scs
__scs_entry_jumppad:
0x0: {  	(pc) =	sbr.rel $0x88, $3  }
0x1: {  	(tag) =	ssettag $0x0;
	lr =	simm.s32 $0x1  }
0x2: {  	[smem:$0x3F92] =	sst lr;
	_ =	strace $0xD0000000  }
0x3: {  	_ = 	snop  }
0x4: {  	_ = 	snop  }
0x5: {  	_ = 	snop  }
0x6: {  	_ = 	snop  }
0x7: {  	_ = 	snop  }
__scs_overlays_trampoline_lowered:
0x8: {  	[smem:$0x3FA1] =	sst s0  }
0x9: {  	[smem:$0x3FA2] =	sst s1  }
0xa: {  	[smem:$0x3FA3] =	sst s2  }
0xb: {  	[smem:$0x3FA4] =	sst s3  }
0xc: {  	[smem:$0x3FA5] =	sst s4  }
0xd: {  	[smem:$0x3FA6] =	sst s5  }
0xe: {  	[smem:$0x3FA7] =	sst s6  }
0xf: {  	[smem:$0x3FA8] =	sst s7  }
0x10: {  	[smem:$0x3FA9] =	sst s8  }
0x11: {  	[smem:$0x3FAA] =	sst s9;
	s0 =	simm.s32 @!p0 $0x0  }
0x12: {  	s1 =	sld [smem:$0x3F90];
	s0 =	simm.s32 @p0 $0x1  }
0x13: {  	[smem:$0x3FAB] =	sst s0;
	s0 =	simm.s32 @!p1 $0x0  }
0x14: {  	s2 =	sld [smem:$0x3F8F];
	s0 =	simm.s32 @p1 $0x1  }
0x15: {  	[smem:$0x3FAC] =	sst s0;
	s0 =	simm.s32 @!p2 $0x0  }
0x16: {  	s3 =	sld [smem:$0x3FDB];
	s0 =	simm.s32 @p2 $0x1  }
0x17: {  	s4 =	simm.s32 $0x1BF5;
	[smem:$0x3FAE] =	sst s0  }
0x18: {  	s0 =	sld [smem:$0x3F91];
	_ =	swait.ge [sflag:s4], $0x0  }
0x19: {  	s7 =	sld [smem:$0x3F92]  }
0x1a: {  	s8 =	sadd.s32 $0xFFFFE003, lr  }
0x1b: {  	s9 =	sadd.s32 $0xFFFFFEF7, lr;
	s5 =	simm.s32 $0xFFFFFFFF;
	p2 =	slt.u32 s8, $0xFFFFF086  }
0x1c: {  	p1 =	slt.u32 s9, $0xF7A;
	s5 =	simm.s32 @!p2 $0x0  }
0x1d: {  	s5 =	simm.s32 @p1 $0x1;
	p0 =	seq.s32 s7, s2  }
0x1e: {  	s7 =	smul.u32 @!p0 $0xF7A, s2;
	p2 =	seq.s32 @!p0 s5, $0x0  }
0x1f: {  	s9 =	smul.u32 $0xF7A, s1;
	s8 =	simm.s32 @!p0 $0x1BF5;
	p2 =	por !p2, p0  }
0x20: {  	[sflag:s8] =	ssyncset.s32 @!p0 $0xFFFFF086;
	s6 =	sadd.s32 @!p0 s3, s7;
	s7 =	simm.s32 @!p0 $0x108  }
0x21: {  	s3 =	sadd.s32 s3, s9;
	s6 =	sadd.s32 @!p0 $0x88, s6;
	s7 =	simm.s32 @p2 $0x1082  }
0x22: {  	[simem:s7], [sflag:s8] =	dma.local @!p0 [hbm:s6], $0xF7A  }
0x23: {  	s9 =	sor.u32 $0xD0000000, s2;
	s6 =	simm.s32 $0x108;
	_ =	swait.ge @!p0 [sflag:s8], $0x0  }
0x24: {  	s3 =	sadd.s32 $0x88, s3;
	s6 =	simm.s32 @!p1 $0x1082;
	[sflag:s4] =	ssyncset.s32 $0xFFFFF086  }
0x25: {  	[simem:s6], [sflag:s4] =	dma.local [hbm:s3], $0xF7A  }
0x26: {  	[smem:$0x3F92] =	sst s1;
	(tag) =	ssettag s2;
	_ =	strace s9  }
0x27: {  	s1 =	sld [smem:$0x3FA2]  }
0x28: {  	s2 =	sld [smem:$0x3FA3]  }
0x29: {  	s4 =	sld [smem:$0x3FA5]  }
0x2a: {  	p0 =	seq.s32 s5, $0x0;
	s5 =	sld [smem:$0x3FA6]  }
0x2b: {  	s6 =	sld [smem:$0x3FA7]  }
0x2c: {  	s7 =	sld [smem:$0x3FA8]  }
0x2d: {  	s3 =	simm.s32 $0x108;
	s8 =	sld [smem:$0x3FA9]  }
0x2e: {  	s3 =	simm.s32 @!p0 $0x1082;
	s9 =	sld [smem:$0x3FAA]  }
0x2f: {  	lr =	sadd.s32 s0, s3;
	s0 =	sld [smem:$0x3FA1]  }
0x30: {  	s3 =	sld [smem:$0x3FA4]  }
0x31: {  	[smem:$0x3FAD] =	sst s10  }
0x32: {  	s10 =	sld [smem:$0x3FAB];
	_ =	sdelay $0x3  }
0x33: {  	p0 =	seq.s32 s10, $0x1;
	s10 =	sld [smem:$0x3FAD];
	_ =	sdelay $0x3  }
0x34: {  	[smem:$0x3FAD] =	sst s10  }
0x35: {  	s10 =	sld [smem:$0x3FAC];
	_ =	sdelay $0x3  }
0x36: {  	p1 =	seq.s32 s10, $0x1;
	s10 =	sld [smem:$0x3FAD];
	_ =	sdelay $0x3  }
0x37: {  	[smem:$0x3FAD] =	sst s10  }
0x38: {  	s10 =	sld [smem:$0x3FAE]  }
0x39: {  	_ = 	snop;
	(pc) =	sbr.ind lr, $3  }
0x3a: {  	_ = 	snop  }
0x3b: {  	_ = 	snop  }
0x3c: {  	p2 =	seq.s32 s10, $0x1;
	s10 =	sld [smem:$0x3FAD]  }
0x3d: {  	_ =	shalt  }
0x3e: {  	_ =	shalt  }
0x3f: {  	_ =	shalt  }
0x40: {  	_ =	shalt  }
0x41: {  	_ =	shalt  }
0x42: {  	_ =	shalt  }
0x43: {  	_ =	shalt  }
0x44: {  	_ =	shalt  }
0x45: {  	_ =	shalt  }
0x46: {  	_ =	shalt  }
0x47: {  	_ =	shalt  }
0x48: {  	_ =	shalt  }
0x49: {  	_ =	shalt  }
0x4a: {  	_ =	shalt  }
0x4b: {  	_ =	shalt  }
0x4c: {  	_ =	shalt  }
0x4d: {  	_ =	shalt  }
0x4e: {  	_ =	shalt  }
0x4f: {  	_ =	shalt  }
0x50: {  	_ =	shalt  }
0x51: {  	_ =	shalt  }
0x52: {  	_ =	shalt  }
0x53: {  	_ =	shalt  }
0x54: {  	_ =	shalt  }
0x55: {  	_ =	shalt  }
0x56: {  	_ =	shalt  }
0x57: {  	_ =	shalt  }
0x58: {  	_ =	shalt  }
0x59: {  	_ =	shalt  }
0x5a: {  	_ =	shalt  }
0x5b: {  	_ =	shalt  }
0x5c: {  	_ =	shalt  }
0x5d: {  	_ =	shalt  }
0x5e: {  	_ =	shalt  }
0x5f: {  	_ =	shalt  }
0x60: {  	_ =	shalt  }
0x61: {  	_ =	shalt  }
0x62: {  	_ =	shalt  }
0x63: {  	_ =	shalt  }
0x64: {  	_ =	shalt  }
0x65: {  	_ =	shalt  }
0x66: {  	_ =	shalt  }
0x67: {  	_ =	shalt  }
0x68: {  	_ =	shalt  }
0x69: {  	_ =	shalt  }
0x6a: {  	_ =	shalt  }
0x6b: {  	_ =	shalt  }
0x6c: {  	_ =	shalt  }
0x6d: {  	_ =	shalt  }
0x6e: {  	_ =	shalt  }
0x6f: {  	_ =	shalt  }
0x70: {  	_ =	shalt  }
0x71: {  	_ =	shalt  }
0x72: {  	_ =	shalt  }
0x73: {  	_ =	shalt  }
0x74: {  	_ =	shalt  }
0x75: {  	_ =	shalt  }
0x76: {  	_ =	shalt  }
0x77: {  	_ =	shalt  }
0x78: {  	_ =	shalt  }
0x79: {  	_ =	shalt  }
0x7a: {  	_ =	shalt  }
0x7b: {  	_ =	shalt  }
0x7c: {  	_ =	shalt  }
0x7d: {  	_ =	shalt  }
0x7e: {  	_ =	shalt  }
0x7f: {  	_ =	shalt  }
0x80: {  	_ =	shalt  }
0x81: {  	_ =	shalt  }
0x82: {  	_ =	shalt  }
0x83: {  	_ =	shalt  }
0x84: {  	_ =	shalt  }
0x85: {  	_ =	shalt  }
0x86: {  	_ =	shalt  }
0x87: {  	_ =	shalt  }
.Lfunc_end0:
.L_simem_size_0:
called_computation.3_lowered:
.L_overlay_start_0:
0x88: {  	s2 =	sld [smem:$0x3FD9]  }
0x89: {  	s3 =	sld [smem:$0x3FFE];
	_ =	sdelay $0x1  }
0x8a: {  	s1 =	srdreg.scid  }
0x8b: {  	s0 =	sand.u32 $0x1, s1  }
0x8c: {  	s16 =	sshll.u32 s0, $0xA;
	s2 =	sadd.s32 s3, s2  }
0x8d: {  	s2 =	sadd.s32 s2, s16  }
0x8e: {  	[smem:$0x3FB9] =	sst s2  }
0x8f: {  	_ = 	snop  }
0x90: {  	(tm) =	ssettm $0x1  }
0x91: {  	s17 =	sld [smem:$0x3FFB];
	_ =	sdelay $0x3  }
0x92: {  	_ =	strace s17  }
0x93: {  	s2 =	sld [smem:$0x3FFC];
	_ =	sdelay $0x3  }
0x94: {  	_ =	strace s2  }
0x95: {  	s2 =	sld [smem:$0x3FFD];
	_ =	sdelay $0x3  }
0x96: {  	_ =	strace s2  }
0x97: {  	_ =	strace $0x8FFFFFFF  }
0x98: {  	s18 =	sld [smem:$0x3FDB];
	_ =	sdelay $0x1  }
0x99: {  	s19 =	simm.s32 $_scs_section_size  }
0x9a: {  	s4 =	simm.s32 $_size__tile_overlayer_lowered;
	s5 =	simm.s32 $_tile_overlayer_lowered  }
0x9b: {  	s22 =	simm.s32 $0x1BFF;
	s21 =	sshll.u32 s5, $0x1;
	s2 =	sadd.s32 s19, s18  }
0x9c: {  	s6 =	simm.s32 $0x0;
	s20 =	sshll.u32 s4, $0x1;
	s4 =	sadd.s32 s21, s2  }
0x9d: {  	[timem:s6], [sflag:s22] =	dma.local [hbm:s4], s20  }
0x9e: {  	_ =	swait.ge [sflag:s22], s20  }
0x9f: {  	s3 =	ssub.s32 $0x0, s20;
	[sflag:s22] =	ssyncset.done $0x0  }
0xa0: {  	[sflag:s22] =	ssyncadd.s32 s3;
	_ =	sdelay $0x1  }
0xa1: {  	s23 =	simm.s32 $0x1B8B  }
0xa2: {  	_ =	swait.ge [sflag:s23], $0x1  }
0xa3: {  	[sflag:s23] =	ssyncset.done $0x0  }
0xa4: {  	s25 =	simm.s32 $0x1B8E;
	s24 =	sld [smem:$0x3FFE];
	[sflag:s23] =	ssyncadd.s32 $0xFFFFFFFF  }
0xa5: {  	s26 =	simm.s32 $execute0_lowered;
	[smem:$0x3FD2] =	sst s25  }
0xa6: {  	s4 =	sshll.u32 s26, $0x1;
	_ =	strace $0x8000004F;
	[dreg:$0x1] =	wrdreg $0xFFFFFFFF  }
0xa7: {  	s28 =	simm.s32 $_size_execute0_lowered;
	s2 =	sadd.s32 s2, s4;
	[dreg:$0x0] =	wrdreg $0x0  }
0xa8: {  	s4 =	sshll.u32 s28, $0x1;
	[dreg:$0x2] =	wrdreg s2  }
0xa9: {  	[dreg:$0x3] =	wrdreg s4  }
0xaa: {  	[dreg:$0x4] =	wrdreg $0xC0  }
0xab: {  	_ =	task [dreg:s6], $0x5FFFF  }
0xac: {  	[dreg:$0x1] =	wrdreg $0xFFFFFFFF  }
0xad: {  	[dreg:$0x0] =	wrdreg $0x60  }
0xae: {  	[dreg:$0x2] =	wrdreg s24  }
0xaf: {  	[dreg:$0x3] =	wrdreg $0x9  }
0xb0: {  	_ =	task.clear_ibuf [dreg:s6], $0x4FFFF;
	_ =	strace $0x9000004F  }
0xb1: {  	s29 =	simm.s32 $0x9;
	_ =	strace $0x80000051  }
0xb2: {  	_ =	swait.ge [sflag:s29], $0x1  }
0xb3: {  	[sflag:s29] =	ssyncadd.s32 $0xFFFFFFFF  }
0xb4: {  	_ =	strace $0x90000051  }
0xb5: {  	_ =	sfence  }
0xb6: {  	s30 =	sld [smem:$0x0];
	_ =	sdelay $0x2  }
0xb7: {  	s31 =	sshll.u32 s1, $0xD;
	s1 =	sshrl.u32 s1, $0x2  }
0xb8: {  	s3 =	sand.u32 $0x4000, s31;
	s1 =	sadd.s32 s1, s30  }
0xb9: {  	s0 =	sor.u32 s3, s0;
	s1 =	sshll.u32 s1, $0x11  }
0xba: {  	s0 =	sor.u32 s1, s0  }
0xbb: {  	s0 =	sadd.s32 $0x8F2B, s0  }
0xbc: {  	[sflag:s0] =	ssyncadd.remote.s32 $0x1  }
0xbd: {  	_ =	sfence.sel $0xFFFF  }
0xbe: {  	[dreg:$0x0] =	wrdreg $0xFFFFFFFF;
	(pc) =	sbr.abs _section_cstart, $3  }
0xbf: {  	[dreg:$0x1] =	wrdreg $0xFFFFFFFF  }
0xc0: {  	_ =	task.clear_ibuf [dreg:s6], $0x2FFFF;
	_ =	strace $0x9FFFFFFF  }
0xc1: {  	(tm) =	ssettm $0x7FFFFFFF  }
tec
execute0_lowered:
.L_overlay_start_1:
0x0: {  	(tag) =	ssettag $0x1  }
0x1: {  	s0 =	srdreg.scid  }
0x2: {  	s1 =	sshll.u32 s0, $0x4  }
0x3: {  	s0 =	stileid.u32;
	s1 =	sand.u32 $0x10, s1  }
0x4: {  	s2 =	sor.u32 s0, s1  }
0x5: {  	s1 =	smin.u32 s2, $0x12  }
0x6: {  	s1 =	sadd.s32 s2, s1  }
0x7: {  	p0 =	slt.u32 s2, $0x12;
	s2 =	simm.s32 $0x320;
	s1 =	smul.u32 $0x190, s1  }
0x8: {  	s2 =	simm.s32 @!p0 $0x190  }
0x9: {  	s2 =	sadd.s32 s2, s1  }
0xa: {  	s3 =	smin.u32 s2, $0x4E20  }
0xb: {  	s7 =	ssub.s32 s3, s1  }
0xc: {  	p0 =	sgt.s32 s7, $0x0  }
0xd: {  	s7 =	simm.s32 @!p0 $0x0  }
0xe: {  	s31 =	sand.u32 $0xFFF0, s7  }
0xf: {  	s2 =	sshrl.u32 s31, $0x4  }
0x10: {  	s2 =	smul.u32 $0xA3E, s2  }
0x11: {  	s9 =	rddreg [dreg:$0x0];
	s6 =	simm.s32 $0x1;
	s11 =	simm.s32 $0x3  }
0x12: {  	s13 =	simm.s32 $0x0;
	s12 =	simm.s32 $0x0;
	s8 =	sshrl.u32 s2, $0x10  }
0x13: {  	s4 =	sadd.s32 $0x1E00, s9;
	s5 =	sadd.s32 $0x1400, s9;
	s10 =	smul.u32 $0x190, s8  }
.Ltmp0:
0x14: {  	s9 =	sadd.s32 $0x50000, s9;
	s2 =	rddreg [dreg:$0x1];
	(pc) =	sbr.rel .LBB2_1-.Ltmp0, $4  }
0x15: {  	_ =	strace $0x80000050;
	p0 =	sne.s32 s7, s10;
	s10 =	simm.s32 $0x1  }
0x16: {  	[sflag:s6] =	ssyncpa.u1 $0x0;
	s7 =	simm.s32 $0x2;
	s10 =	simm.s32 @!p0 $0x0  }
0x17: {  	[sflag:s7] =	ssyncpa.u1 $0x0;
	p0 =	por $0x0, $0x0;
	s8 =	sadd.s32 s8, s10  }
0x18: {  	vm0 =	vmmov $0xff;
	vm1 =	vcmask $0x3F20;
	[sflag:s11] =	ssyncpa.u1 $0x0;
	s11 =	smov.u32 s1;
	s10 =	sadd.s32 $0x1, s8  }
.LBB2_6:
0x19: {  	[hbm:s17] =	stream.linear.scatter [tilespmem:s14], [sflag:$0x3], $0x400, $0x38;
	[tilespmem:$0x19320] =	vst v63  }
.LBB2_7:
0x1a: {  	s13 =	sadd.s32 $0x190, s11  }
0x1b: {  	s15 =	smov.u32 s1;
	p2 =	slt.s32 s13, s3  }
0x1c: {  	s15 =	smov.u32 @p2 s13;
	p2 =	sne.s32 s12, s10  }
.Ltmp1:
0x1d: {  	p1 =	slt.u32 s12, $0x2;
	(pc) =	sbr.rel @!p2 .LBB2_8-.Ltmp1, $4  }
0x1e: {  	s14 =	simm.s32 @!p1 $0x3  }
0x1f: {  	s16 =	sadd.s32 $0x1, s12;
	_ =	swait.ge @!p1 [sflag:s14], $0xC800  }
0x20: {  	p0 =	por !p0, !p0;
	s13 =	smov.u32 s11;
	[sflag:s14] =	ssyncset.done @!p1 $0x0  }
0x21: {  	s12 =	smov.u32 s16;
	s11 =	smov.u32 s15;
	[sflag:s14] =	ssyncadd.s32 @!p1 $0xFFFF3800  }
.LBB2_1:
0x22: {  	p1 =	sge.u32 s12, s8  }
0x23: {  	s14 =	sxor.u32 @!p1 $0xFFFFFFFF, s12  }
0x24: {  	s14 =	sand.u32 @!p1 $0x1, s14  }
0x25: {  	s14 =	smul.u32 @!p1 $0x640, s14  }
0x26: {  	s31 =	sadd.s32 $0xFFFFFFFF, s12;
	s15 =	sshrl.u32 @!p1 s11, $0x3  }
0x27: {  	s16 =	sand.u32 @!p1 $0x7, s11;
	s15 =	sadd.s32 @!p1 s5, s15;
	s14 =	sshrl.u32 @!p1 s14, $0x2  }
0x28: {  	[tilespmem:s14], [sflag:$0x2] =	stream.linear.gather @!p1 [hbm4b:s15+s16], $0x190, $0x38;
	[tilespmem:$0x19320] =	vst v63  }
0x29: {  	p1 =	sge.u32 s31, s8  }
.Ltmp2:
0x2a: {  	_ = 	snop;
	(pc) =	sbr.rel @p1 .LBB2_7-.Ltmp2, $1  }
0x2b: {  	_ =	sdelay $0x3  }
0x2c: {  	s14 =	simm.s32 $0x1  }
0x2d: {  	s14 =	simm.s32 @!p0 $0x0  }
0x2e: {  	s15 =	smul.u32 $0x640, s14  }
0x2f: {  	_ =	swait.ge [sflag:s7], $0x190  }
0x30: {  	[sflag:s7] =	ssyncset.done $0x0;
	s16 =	sshrl.u32 s15, $0x2  }
0x31: {  	[sflag:s7] =	ssyncadd.s32 $0xFFFFFE70;
	s15 =	sadd.s32 $0x0, s16  }
0x32: {  	v0 =	vld.msk [tilespmem:s15+$0x0 ss:$0x1], $0xffff;
	_ =	sdelay $0x4  }
0x33: {  	vm2 =	vgt.s32 v0, $0x0  }
0x34: {  	v0 =	vnsel vm2, $0x0, v0  }
0x35: {  	v0 =	vmin.u32 v0, $0x4E1F  }
0x36: {  	v0 =	vshll.u32 v0, $0x4  }
0x37: {  	s14 =	smul.u32 $0x32000, s14;
	_ =	sdelay $0x1  }
0x38: {  	s14 =	sshrl.u32 s14, $0x2  }
0x39: {  	s14 =	sor.u32 $0x320, s14  }
0x3a: {  	[tilespmem:s14], [sflag:$0x1] =	stream.indirect_vreg.gather [hbm:s4], $0x80, v0, vm0, $0x38;
	[tilespmem:$0x19320] =	vst v63  }
0x3b: {  	s17 =	sadd.s32 $0x10, s16;
	s15 =	sadd.s32 $0x400, s14  }
0x3c: {  	[tilespmem:s15], [sflag:$0x1] =	stream.indirect_vreg.gather [hbm:s4], $0x80, v0, vm1, $0x38;
	[tilespmem:$0x19320] =	vst v63  }
0x3d: {  	s18 =	simm.s32 $0x80;
	v0 =	vld.msk [tilespmem:s17+$0x0 ss:$0x1], $0xffff;
	s17 =	smov.u32 s14  }
.LBB2_3:
0x3e: {  	p1 =	sne.s32 s18, $0x600;
	_ =	sdelay $0x4  }
0x3f: {  	vm2 =	vgt.s32 v0, $0x0  }
0x40: {  	v0 =	vnsel vm2, $0x0, v0  }
0x41: {  	v0 =	vmin.u32 v0, $0x4E1F  }
0x42: {  	v0 =	vshll.u32 v0, $0x4;
	_ =	sdelay $0x3  }
.Ltmp3:
0x43: {  	s19 =	sshra.s32 s18, $0x2;
	s17 =	sadd.s32 $0x800, s17;
	(pc) =	sbr.rel @p1 .LBB2_3-.Ltmp3, $4  }
0x44: {  	[tilespmem:s17], [sflag:$0x1] =	stream.indirect_vreg.gather [hbm:s4], $0x80, v0, vm0, $0x38;
	[tilespmem:$0x19320] =	vst v63  }
0x45: {  	s19 =	sadd.s32 s19, s16;
	s20 =	sadd.s32 $0x400, s17  }
0x46: {  	[tilespmem:s20], [sflag:$0x1] =	stream.indirect_vreg.gather [hbm:s4], $0x80, v0, vm1, $0x38;
	[tilespmem:$0x19320] =	vst v63  }
0x47: {  	s18 =	sadd.s32 $0x40, s18;
	v0 =	vld.msk [tilespmem:s19+$0x0 ss:$0x1], $0xffff  }
0x48: {  	_ =	sdelay $0x3  }
0x49: {  	vm2 =	vgt.s32 v0, $0x0  }
0x4a: {  	v0 =	vnsel vm2, $0x0, v0  }
0x4b: {  	v0 =	vmin.u32 v0, $0x4E1F  }
0x4c: {  	v0 =	vshll.u32 v0, $0x4;
	_ =	sdelay $0x3  }
0x4d: {  	s16 =	sadd.s32 $0x800, s17  }
0x4e: {  	[tilespmem:s16], [sflag:$0x1] =	stream.indirect_vreg.gather [hbm:s4], $0x80, v0, vm0, $0x38;
	[tilespmem:$0x19320] =	vst v63  }
0x4f: {  	s16 =	sadd.s32 $0x400, s16  }
0x50: {  	[tilespmem:s16], [sflag:$0x1] =	stream.indirect_vreg.gather [hbm:s4], $0x80, v0, vm1, $0x38;
	[tilespmem:$0x19320] =	vst v63  }
0x51: {  	s13 =	sshll.u32 s13, $0x4;
	_ =	swait.ge [sflag:s6], $0xC800  }
0x52: {  	s13 =	sadd.s32 s13, s9;
	[sflag:s6] =	ssyncset.done $0x0  }
0x53: {  	s17 =	sadd.s32 $0x0, s13;
	s16 =	simm.s32 $0x80;
	[sflag:s6] =	ssyncadd.s32 $0xFFFF3800  }
.LBB2_5:
0x54: {  	[hbm:s17] =	stream.linear.scatter [tilespmem:s14], [sflag:$0x3], $0x400, $0x38;
	[tilespmem:$0x19320] =	vst v63  }
0x55: {  	s17 =	smov.u32 s16;
	s14 =	smov.u32 s15;
	p1 =	sne.s32 s16, $0x1880  }
.Ltmp4:
0x56: {  	s16 =	sadd.s32 $0x80, s16;
	(pc) =	sbr.rel @p1 .LBB2_5-.Ltmp4, $2  }
0x57: {  	_ =	sdelay $0x2  }
0x58: {  	s15 =	sadd.s32 $0x400, s15;
	s17 =	sadd.s32 s17, s13  }
.Ltmp5:
0x59: {  	_ = 	snop;
	(pc) =	sbr.rel .LBB2_6-.Ltmp5, $1  }
0x5a: {  	_ =	sdelay $0x3  }
.LBB2_8:
0x5b: {  	_ =	sfence.sel $0x180000  }
0x5c: {  	s1 =	simm.s32 $0x2;
	[bflag:$0x0] =	sbarrier.arrive $0xFFFF  }
0x5d: {  	s30 =	simm.s32 $0x3;
	[sflag:s1] =	ssyncpa.u1 $0x1  }
0x5e: {  	s31 =	simm.s32 $0x1;
	[sflag:s30] =	ssyncpa.u1 $0x1  }
0x5f: {  	[sflag:s31] =	ssyncpa.u1 $0x1  }
0x60: {  	p0 =	sne.s32 s0, $0x0;
	_ =	strace $0x90000050  }
0x61: {  	s0 =	sadd.s32 @!p0 $0x100000, s2;
	[bflag:$0x2] =	sbarrier.arrive $0xFFFF  }
0x62: {  	[sflag:s0] =	ssyncadd.tile.s32 @!p0 $0x1;
	_ =	shalt  }
.Lfunc_end2:
_tile_overlayer_lowered:
.L_overlay_start_2:
0x63: {  	(tag) =	ssettag $0x2  }
0x64: {  	s0 =	rddreg [dreg:$0x0];
	s2 =	stileid.u32  }
0x65: {  	s1 =	rddreg [dreg:$0x1];
	p0 =	sne.s32 s2, $0x0  }
0x66: {  	s3 =	rddreg [dreg:$0x2];
	[bflag:$0x3] =	sbarrier.arrive $0xFFFF;
	s2 =	simm.s32 @!p0 $0x1C01  }
0x67: {  	[timem:s3], [sflag:s2] =	dma.local @!p0 [hbm:s0], s1  }
0x68: {  	s0 =	simm.s32 @!p0 $0x1  }
0x69: {  	_ =	swait.ge @!p0 [sflag:s0], s1  }
0x6a: {  	s1 =	ssub.s32 @!p0 $0x0, s1;
	[sflag:s0] =	ssyncset.done @!p0 $0x0  }
0x6b: {  	[sflag:s0] =	ssyncadd.s32 @!p0 s1  }
0x6c: {  	[bflag:$0x3] =	sbarrier.arrive $0xFFFF  }
0x6d: {  	_ =	shalt  }

// kernel: gather_offload_async_start
scs
__scs_entry_jumppad:
0x0: {  	(pc) =	sbr.rel $0x88, $3  }
0x1: {  	(tag) =	ssettag $0x0;
	lr =	simm.s32 $0x1  }
0x2: {  	[smem:$0x3F92] =	sst lr;
	_ =	strace $0xD0000000  }
0x3: {  	_ = 	snop  }
0x4: {  	_ = 	snop  }
0x5: {  	_ = 	snop  }
0x6: {  	_ = 	snop  }
0x7: {  	_ = 	snop  }
__scs_overlays_trampoline_lowered:
0x8: {  	[smem:$0x3FA1] =	sst s0  }
0x9: {  	[smem:$0x3FA2] =	sst s1  }
0xa: {  	[smem:$0x3FA3] =	sst s2  }
0xb: {  	[smem:$0x3FA4] =	sst s3  }
0xc: {  	[smem:$0x3FA5] =	sst s4  }
0xd: {  	[smem:$0x3FA6] =	sst s5  }
0xe: {  	[smem:$0x3FA7] =	sst s6  }
0xf: {  	[smem:$0x3FA8] =	sst s7  }
0x10: {  	[smem:$0x3FA9] =	sst s8  }
0x11: {  	[smem:$0x3FAA] =	sst s9;
	s0 =	simm.s32 @!p0 $0x0  }
0x12: {  	s1 =	sld [smem:$0x3F90];
	s0 =	simm.s32 @p0 $0x1  }
0x13: {  	[smem:$0x3FAB] =	sst s0;
	s0 =	simm.s32 @!p1 $0x0  }
0x14: {  	s2 =	sld [smem:$0x3F8F];
	s0 =	simm.s32 @p1 $0x1  }
0x15: {  	[smem:$0x3FAC] =	sst s0;
	s0 =	simm.s32 @!p2 $0x0  }
0x16: {  	s3 =	sld [smem:$0x3FDB];
	s0 =	simm.s32 @p2 $0x1  }
0x17: {  	s4 =	simm.s32 $0x1BF5;
	[smem:$0x3FAE] =	sst s0  }
0x18: {  	s0 =	sld [smem:$0x3F91];
	_ =	swait.ge [sflag:s4], $0x0  }
0x19: {  	s7 =	sld [smem:$0x3F92]  }
0x1a: {  	s8 =	sadd.s32 $0xFFFFE003, lr  }
0x1b: {  	s9 =	sadd.s32 $0xFFFFFEF7, lr;
	s5 =	simm.s32 $0xFFFFFFFF;
	p2 =	slt.u32 s8, $0xFFFFF086  }
0x1c: {  	p1 =	slt.u32 s9, $0xF7A;
	s5 =	simm.s32 @!p2 $0x0  }
0x1d: {  	s5 =	simm.s32 @p1 $0x1;
	p0 =	seq.s32 s7, s2  }
0x1e: {  	s7 =	smul.u32 @!p0 $0xF7A, s2;
	p2 =	seq.s32 @!p0 s5, $0x0  }
0x1f: {  	s9 =	smul.u32 $0xF7A, s1;
	s8 =	simm.s32 @!p0 $0x1BF5;
	p2 =	por !p2, p0  }
0x20: {  	[sflag:s8] =	ssyncset.s32 @!p0 $0xFFFFF086;
	s6 =	sadd.s32 @!p0 s3, s7;
	s7 =	simm.s32 @!p0 $0x108  }
0x21: {  	s3 =	sadd.s32 s3, s9;
	s6 =	sadd.s32 @!p0 $0x88, s6;
	s7 =	simm.s32 @p2 $0x1082  }
0x22: {  	[simem:s7], [sflag:s8] =	dma.local @!p0 [hbm:s6], $0xF7A  }
0x23: {  	s9 =	sor.u32 $0xD0000000, s2;
	s6 =	simm.s32 $0x108;
	_ =	swait.ge @!p0 [sflag:s8], $0x0  }
0x24: {  	s3 =	sadd.s32 $0x88, s3;
	s6 =	simm.s32 @!p1 $0x1082;
	[sflag:s4] =	ssyncset.s32 $0xFFFFF086  }
0x25: {  	[simem:s6], [sflag:s4] =	dma.local [hbm:s3], $0xF7A  }
0x26: {  	[smem:$0x3F92] =	sst s1;
	(tag) =	ssettag s2;
	_ =	strace s9  }
0x27: {  	s1 =	sld [smem:$0x3FA2]  }
0x28: {  	s2 =	sld [smem:$0x3FA3]  }
0x29: {  	s4 =	sld [smem:$0x3FA5]  }
0x2a: {  	p0 =	seq.s32 s5, $0x0;
	s5 =	sld [smem:$0x3FA6]  }
0x2b: {  	s6 =	sld [smem:$0x3FA7]  }
0x2c: {  	s7 =	sld [smem:$0x3FA8]  }
0x2d: {  	s3 =	simm.s32 $0x108;
	s8 =	sld [smem:$0x3FA9]  }
0x2e: {  	s3 =	simm.s32 @!p0 $0x1082;
	s9 =	sld [smem:$0x3FAA]  }
0x2f: {  	lr =	sadd.s32 s0, s3;
	s0 =	sld [smem:$0x3FA1]  }
0x30: {  	s3 =	sld [smem:$0x3FA4]  }
0x31: {  	[smem:$0x3FAD] =	sst s10  }
0x32: {  	s10 =	sld [smem:$0x3FAB];
	_ =	sdelay $0x3  }
0x33: {  	p0 =	seq.s32 s10, $0x1;
	s10 =	sld [smem:$0x3FAD];
	_ =	sdelay $0x3  }
0x34: {  	[smem:$0x3FAD] =	sst s10  }
0x35: {  	s10 =	sld [smem:$0x3FAC];
	_ =	sdelay $0x3  }
0x36: {  	p1 =	seq.s32 s10, $0x1;
	s10 =	sld [smem:$0x3FAD];
	_ =	sdelay $0x3  }
0x37: {  	[smem:$0x3FAD] =	sst s10  }
0x38: {  	s10 =	sld [smem:$0x3FAE]  }
0x39: {  	_ = 	snop;
	(pc) =	sbr.ind lr, $3  }
0x3a: {  	_ = 	snop  }
0x3b: {  	_ = 	snop  }
0x3c: {  	p2 =	seq.s32 s10, $0x1;
	s10 =	sld [smem:$0x3FAD]  }
0x3d: {  	_ =	shalt  }
0x3e: {  	_ =	shalt  }
0x3f: {  	_ =	shalt  }
0x40: {  	_ =	shalt  }
0x41: {  	_ =	shalt  }
0x42: {  	_ =	shalt  }
0x43: {  	_ =	shalt  }
0x44: {  	_ =	shalt  }
0x45: {  	_ =	shalt  }
0x46: {  	_ =	shalt  }
0x47: {  	_ =	shalt  }
0x48: {  	_ =	shalt  }
0x49: {  	_ =	shalt  }
0x4a: {  	_ =	shalt  }
0x4b: {  	_ =	shalt  }
0x4c: {  	_ =	shalt  }
0x4d: {  	_ =	shalt  }
0x4e: {  	_ =	shalt  }
0x4f: {  	_ =	shalt  }
0x50: {  	_ =	shalt  }
0x51: {  	_ =	shalt  }
0x52: {  	_ =	shalt  }
0x53: {  	_ =	shalt  }
0x54: {  	_ =	shalt  }
0x55: {  	_ =	shalt  }
0x56: {  	_ =	shalt  }
0x57: {  	_ =	shalt  }
0x58: {  	_ =	shalt  }
0x59: {  	_ =	shalt  }
0x5a: {  	_ =	shalt  }
0x5b: {  	_ =	shalt  }
0x5c: {  	_ =	shalt  }
0x5d: {  	_ =	shalt  }
0x5e: {  	_ =	shalt  }
0x5f: {  	_ =	shalt  }
0x60: {  	_ =	shalt  }
0x61: {  	_ =	shalt  }
0x62: {  	_ =	shalt  }
0x63: {  	_ =	shalt  }
0x64: {  	_ =	shalt  }
0x65: {  	_ =	shalt  }
0x66: {  	_ =	shalt  }
0x67: {  	_ =	shalt  }
0x68: {  	_ =	shalt  }
0x69: {  	_ =	shalt  }
0x6a: {  	_ =	shalt  }
0x6b: {  	_ =	shalt  }
0x6c: {  	_ =	shalt  }
0x6d: {  	_ =	shalt  }
0x6e: {  	_ =	shalt  }
0x6f: {  	_ =	shalt  }
0x70: {  	_ =	shalt  }
0x71: {  	_ =	shalt  }
0x72: {  	_ =	shalt  }
0x73: {  	_ =	shalt  }
0x74: {  	_ =	shalt  }
0x75: {  	_ =	shalt  }
0x76: {  	_ =	shalt  }
0x77: {  	_ =	shalt  }
0x78: {  	_ =	shalt  }
0x79: {  	_ =	shalt  }
0x7a: {  	_ =	shalt  }
0x7b: {  	_ =	shalt  }
0x7c: {  	_ =	shalt  }
0x7d: {  	_ =	shalt  }
0x7e: {  	_ =	shalt  }
0x7f: {  	_ =	shalt  }
0x80: {  	_ =	shalt  }
0x81: {  	_ =	shalt  }
0x82: {  	_ =	shalt  }
0x83: {  	_ =	shalt  }
0x84: {  	_ =	shalt  }
0x85: {  	_ =	shalt  }
0x86: {  	_ =	shalt  }
0x87: {  	_ =	shalt  }
.Lfunc_end0:
.L_simem_size_0:
called_computation_lowered:
.L_overlay_start_0:
0x88: {  	s2 =	sld [smem:$0x3FD9]  }
0x89: {  	s3 =	sld [smem:$0x3FFE];
	_ =	sdelay $0x1  }
0x8a: {  	s1 =	srdreg.scid  }
0x8b: {  	s0 =	sand.u32 $0x1, s1  }
0x8c: {  	s14 =	sshll.u32 s0, $0xA;
	s2 =	sadd.s32 s3, s2  }
0x8d: {  	s2 =	sadd.s32 s2, s14  }
0x8e: {  	[smem:$0x3FB9] =	sst s2  }
0x8f: {  	_ = 	snop  }
0x90: {  	s2 =	sld [smem:$0x3FD0];
	_ =	sdelay $0x2  }
0x91: {  	s15 =	simm.s32 $0xC;
	s4 =	simm.s32 $0x10  }
0x92: {  	[smem:s4], [sflag:s15] =	dma.local [hbm:s2], $0x1  }
0x93: {  	_ =	swait.eq [sflag:s15], $0x1  }
0x94: {  	[sflag:s15] =	ssyncset.done $0x0  }
0x95: {  	[sflag:s15] =	ssyncadd.s32 $0xFFFFFFFF  }
0x96: {  	s16 =	sld [smem:$0x10];
	(tm) =	ssettm $0x1  }
0x97: {  	s17 =	sld [smem:$0x3FFB];
	_ =	sdelay $0x3  }
0x98: {  	_ =	strace s17  }
0x99: {  	s3 =	sld [smem:$0x3FFC];
	_ =	sdelay $0x3  }
0x9a: {  	_ =	strace s3  }
0x9b: {  	s3 =	sld [smem:$0x3FFD];
	_ =	sdelay $0x3  }
0x9c: {  	_ =	strace s3  }
0x9d: {  	_ =	strace $0x8FFFFFFF  }
0x9e: {  	s18 =	sld [smem:$0x3FDB];
	_ =	sdelay $0x1  }
0x9f: {  	s19 =	simm.s32 $_scs_section_size  }
0xa0: {  	s5 =	simm.s32 $_size__tile_overlayer_lowered;
	s6 =	simm.s32 $_tile_overlayer_lowered  }
0xa1: {  	s22 =	simm.s32 $0x1BFF;
	s21 =	sshll.u32 s6, $0x1;
	s3 =	sadd.s32 s19, s18  }
0xa2: {  	s7 =	simm.s32 $0x0;
	s20 =	sshll.u32 s5, $0x1;
	s5 =	sadd.s32 s21, s3  }
0xa3: {  	[timem:s7], [sflag:s22] =	dma.local [hbm:s5], s20  }
0xa4: {  	_ =	swait.ge [sflag:s22], s20  }
0xa5: {  	s4 =	ssub.s32 $0x0, s20;
	[sflag:s22] =	ssyncset.done $0x0  }
0xa6: {  	[sflag:s22] =	ssyncadd.s32 s4;
	_ =	sdelay $0x1  }
0xa7: {  	s23 =	simm.s32 $0x1B8B  }
0xa8: {  	_ =	swait.ge [sflag:s23], $0x1  }
0xa9: {  	[sflag:s23] =	ssyncset.done $0x0  }
0xaa: {  	s25 =	simm.s32 $0x1B8E;
	s24 =	sld [smem:$0x3FFE];
	[sflag:s23] =	ssyncadd.s32 $0xFFFFFFFF  }
0xab: {  	s26 =	simm.s32 $execute0_lowered;
	[smem:$0x3FD2] =	sst s25  }
0xac: {  	s5 =	sshll.u32 s26, $0x1;
	_ =	strace $0x80000046;
	[dreg:$0x1] =	wrdreg $0xFFFFFFFF  }
0xad: {  	s28 =	simm.s32 $_size_execute0_lowered;
	s3 =	sadd.s32 s3, s5;
	[dreg:$0x0] =	wrdreg $0x0  }
0xae: {  	s5 =	sshll.u32 s28, $0x1;
	[dreg:$0x2] =	wrdreg s3  }
0xaf: {  	[dreg:$0x3] =	wrdreg s5  }
0xb0: {  	[dreg:$0x4] =	wrdreg $0xC0  }
0xb1: {  	_ =	task [dreg:s7], $0x5FFFF  }
0xb2: {  	[dreg:$0x1] =	wrdreg $0xFFFFFFFF  }
0xb3: {  	[dreg:$0x0] =	wrdreg $0x60  }
0xb4: {  	[dreg:$0x2] =	wrdreg s24  }
0xb5: {  	[dreg:$0x3] =	wrdreg s16  }
0xb6: {  	[dreg:$0x4] =	wrdreg $0x9  }
0xb7: {  	_ =	task.clear_ibuf [dreg:s7], $0x5FFFF;
	_ =	strace $0x90000046  }
0xb8: {  	s29 =	simm.s32 $0x9;
	_ =	strace $0x80000048  }
0xb9: {  	_ =	swait.ge [sflag:s29], $0x1  }
0xba: {  	[sflag:s29] =	ssyncadd.s32 $0xFFFFFFFF  }
0xbb: {  	_ =	strace $0x90000048  }
0xbc: {  	_ =	sfence  }
0xbd: {  	s30 =	sld [smem:$0x0];
	_ =	sdelay $0x2  }
0xbe: {  	s31 =	sshll.u32 s1, $0xD;
	s1 =	sshrl.u32 s1, $0x2  }
0xbf: {  	s3 =	sand.u32 $0x4000, s31;
	s1 =	sadd.s32 s1, s30  }
0xc0: {  	s0 =	sor.u32 s3, s0;
	s1 =	sshll.u32 s1, $0x11  }
0xc1: {  	s0 =	sor.u32 s1, s0  }
0xc2: {  	s0 =	sadd.s32 $0x8F2B, s0  }
0xc3: {  	[sflag:s0] =	ssyncadd.remote.s32 $0x1  }
0xc4: {  	_ =	sfence.sel $0xFFFF  }
0xc5: {  	[dreg:$0x0] =	wrdreg $0xFFFFFFFF;
	(pc) =	sbr.abs _section_cstart, $3  }
0xc6: {  	[dreg:$0x1] =	wrdreg $0xFFFFFFFF  }
0xc7: {  	_ =	task.clear_ibuf [dreg:s7], $0x2FFFF;
	_ =	strace $0x9FFFFFFF  }
0xc8: {  	(tm) =	ssettm $0x7FFFFFFF  }
0xc9: {  	_ =	shalt  }
tec
execute0_lowered:
.L_overlay_start_1:
0x0: {  	(tag) =	ssettag $0x1  }
0x1: {  	s0 =	srdreg.scid  }
0x2: {  	s1 =	sshll.u32 s0, $0x4  }
0x3: {  	s0 =	stileid.u32;
	s1 =	sand.u32 $0x10, s1  }
0x4: {  	s1 =	sor.u32 s0, s1  }
0x5: {  	s2 =	smul.u32 $0x13, s1  }
0x6: {  	s9 =	rddreg [dreg:$0x0];
	s6 =	simm.s32 $0x1;
	s3 =	smin.u32 s1, $0x11  }
0x7: {  	p0 =	slt.u32 s1, $0x11;
	s1 =	simm.s32 $0x280;
	s2 =	sadd.s32 s3, s2  }
0x8: {  	s7 =	simm.s32 $0x2;
	s1 =	simm.s32 @!p0 $0x260;
	s2 =	sshll.u32 s2, $0x5  }
0x9: {  	s10 =	simm.s32 $0x3;
	s13 =	simm.s32 $0x0;
	s4 =	sadd.s32 s1, s2  }
0xa: {  	s12 =	simm.s32 $0x0;
	s5 =	sadd.s32 $0x13A00, s9;
	s4 =	smin.u32 s4, $0x4E20  }
.Ltmp0:
0xb: {  	s3 =	rddreg [dreg:$0x1];
	s8 =	ssub.s32 s4, s2;
	(pc) =	sbr.rel .LBB2_1-.Ltmp0, $4  }
0xc: {  	s1 =	rddreg [dreg:$0x2];
	_ =	strace $0x80000047;
	p0 =	sgt.s32 s8, $0x0  }
0xd: {  	s9 =	sadd.s32 $0x2D2C00, s9;
	[sflag:s6] =	ssyncpa.u1 $0x0;
	s8 =	simm.s32 @!p0 $0x0  }
0xe: {  	s11 =	smov.u32 s2;
	[sflag:s7] =	ssyncpa.u1 $0x0;
	s8 =	sshrl.u32 s8, $0x5  }
0xf: {  	vm0 =	vmmov $0xffff;
	[sflag:s10] =	ssyncpa.u1 $0x0;
	p0 =	por $0x0, $0x0;
	s10 =	sadd.s32 $0x1, s8  }
.LBB2_4:
0x10: {  	[hbm:s17] =	stream.linear.scatter [tilespmem:s13], [sflag:$0x3], $0x400, $0x38;
	[tilespmem:$0x10040] =	vst v63  }
.LBB2_5:
0x11: {  	s13 =	sadd.s32 $0x20, s11  }
0x12: {  	s15 =	smov.u32 s2;
	p2 =	slt.s32 s13, s4  }
0x13: {  	s15 =	smov.u32 @p2 s13;
	p2 =	sne.s32 s12, s10  }
.Ltmp1:
0x14: {  	p1 =	slt.u32 s12, $0x2;
	(pc) =	sbr.rel @!p2 .LBB2_6-.Ltmp1, $4  }
0x15: {  	s14 =	simm.s32 @!p1 $0x3  }
0x16: {  	s16 =	sadd.s32 $0x1, s12;
	_ =	swait.ge @!p1 [sflag:s14], $0x8000  }
0x17: {  	p0 =	por !p0, !p0;
	s13 =	smov.u32 s11;
	[sflag:s14] =	ssyncset.done @!p1 $0x0  }
0x18: {  	s12 =	smov.u32 s16;
	s11 =	smov.u32 s15;
	[sflag:s14] =	ssyncadd.s32 @!p1 $0xFFFF8000  }
.LBB2_1:
0x19: {  	p1 =	sge.u32 s12, s8  }
0x1a: {  	s14 =	sxor.u32 @!p1 $0xFFFFFFFF, s12  }
0x1b: {  	s31 =	sadd.s32 $0xFFFFFFFF, s12;
	s15 =	sshrl.u32 @!p1 s11, $0x3;
	s14 =	sshll.u32 @!p1 s14, $0x5  }
0x1c: {  	s16 =	sand.u32 @!p1 $0x7, s11;
	s15 =	sadd.s32 @!p1 s3, s15;
	s14 =	sand.u32 @!p1 $0x20, s14  }
0x1d: {  	[tilespmem:s14], [sflag:$0x2] =	stream.linear.gather @!p1 [hbm4b:s15+s16], $0x20, $0x38;
	[tilespmem:$0x10040] =	vst v63  }
0x1e: {  	p1 =	sge.u32 s31, s8  }
.Ltmp2:
0x1f: {  	_ = 	snop;
	(pc) =	sbr.rel @p1 .LBB2_5-.Ltmp2, $1  }
0x20: {  	_ =	sdelay $0x3  }
0x21: {  	_ =	swait.ge [sflag:s7], $0x20  }
0x22: {  	s14 =	sand.u32 $0x1, s12;
	[sflag:s7] =	ssyncset.done $0x0  }
0x23: {  	s15 =	sshll.u32 s14, $0x5;
	[sflag:s7] =	ssyncadd.s32 $0xFFFFFFE0  }
0x24: {  	v0 =	vld.msk [tilespmem:s15+$0x0 ss:$0x1], $0xffff;
	_ =	sdelay $0x4  }
0x25: {  	vm1 =	vgt.s32 v0, $0x0  }
0x26: {  	v0 =	vnsel vm1, $0x0, v0  }
0x27: {  	v0 =	vmin.u32 v0, $0x4E1F  }
0x28: {  	v0 =	vshll.u32 v0, $0x7;
	_ =	sdelay $0x2  }
0x29: {  	s14 =	sshll.u32 s14, $0xF  }
0x2a: {  	s16 =	sor.u32 $0x40, s14;
	s15 =	sor.u32 $0x10, s15  }
0x2b: {  	[tilespmem:s16], [sflag:$0x1] =	stream.indirect_vreg.gather [hbm:s5], $0x400, v0, vm0, $0x38;
	[tilespmem:$0x10040] =	vst v63  }
0x2c: {  	v0 =	vld.msk [tilespmem:s15+$0x0 ss:$0x1], $0xffff;
	_ =	sdelay $0x4  }
0x2d: {  	vm1 =	vgt.s32 v0, $0x0  }
0x2e: {  	v0 =	vnsel vm1, $0x0, v0  }
0x2f: {  	v0 =	vmin.u32 v0, $0x4E1F  }
0x30: {  	v0 =	vshll.u32 v0, $0x7;
	_ =	sdelay $0x2  }
0x31: {  	s15 =	simm.s32 $0x1  }
0x32: {  	s31 =	sshll.u32 s13, $0x7;
	s14 =	sor.u32 $0x4040, s14;
	s15 =	simm.s32 @!p0 $0x0  }
0x33: {  	[tilespmem:s14], [sflag:$0x1] =	stream.indirect_vreg.gather [hbm:s5], $0x400, v0, vm0, $0x38;
	[tilespmem:$0x10040] =	vst v63  }
0x34: {  	s30 =	sshll.u32 s15, $0xF;
	s15 =	simm.s32 $0x80;
	_ =	swait.ge [sflag:s6], $0x8000  }
0x35: {  	s13 =	sor.u32 $0x40, s30;
	s14 =	sadd.s32 s31, s9;
	[sflag:s6] =	ssyncset.done $0x0  }
0x36: {  	s16 =	sadd.s32 $0x400, s13;
	s17 =	sadd.s32 $0x0, s14;
	[sflag:s6] =	ssyncadd.s32 $0xFFFF8000  }
.LBB2_3:
0x37: {  	[hbm:s17] =	stream.linear.scatter [tilespmem:s13], [sflag:$0x3], $0x400, $0x38;
	[tilespmem:$0x10040] =	vst v63  }
0x38: {  	s17 =	smov.u32 s15;
	s13 =	smov.u32 s16;
	p1 =	sne.s32 s15, $0xF80  }
.Ltmp3:
0x39: {  	s15 =	sadd.s32 $0x80, s15;
	(pc) =	sbr.rel @p1 .LBB2_3-.Ltmp3, $2  }
0x3a: {  	_ =	sdelay $0x2  }
0x3b: {  	s16 =	sadd.s32 $0x400, s16;
	s17 =	sadd.s32 s17, s14  }
.Ltmp4:
0x3c: {  	_ = 	snop;
	(pc) =	sbr.rel .LBB2_4-.Ltmp4, $1  }
0x3d: {  	_ =	sdelay $0x3  }
.LBB2_6:
0x3e: {  	_ =	sfence.sel $0x180000  }
0x3f: {  	s2 =	simm.s32 $0x2;
	[bflag:$0x0] =	sbarrier.arrive $0xFFFF  }
0x40: {  	s30 =	simm.s32 $0x3;
	[sflag:s2] =	ssyncpa.u1 $0x1  }
0x41: {  	s31 =	simm.s32 $0x1;
	[sflag:s30] =	ssyncpa.u1 $0x1  }
0x42: {  	[sflag:s31] =	ssyncpa.u1 $0x1  }
0x43: {  	p0 =	sne.s32 s0, $0x0;
	_ =	strace $0x90000047  }
0x44: {  	s0 =	sadd.s32 @!p0 $0x100000, s1;
	[bflag:$0x2] =	sbarrier.arrive $0xFFFF  }
0x45: {  	[sflag:s0] =	ssyncadd.tile.s32 @!p0 $0x1;
	_ =	shalt  }
.Lfunc_end2:
_tile_overlayer_lowered:
.L_overlay_start_2:
0x46: {  	(tag) =	ssettag $0x2  }
0x47: {  	s0 =	rddreg [dreg:$0x0];
	s2 =	stileid.u32  }
0x48: {  	s1 =	rddreg [dreg:$0x1];
	p0 =	sne.s32 s2, $0x0  }
0x49: {  	s3 =	rddreg [dreg:$0x2];
	[bflag:$0x3] =	sbarrier.arrive $0xFFFF;
	s2 =	simm.s32 @!p0 $0x1C01  }
0x4a: {  	[timem:s3], [sflag:s2] =	dma.local @!p0 [hbm:s0], s1  }
0x4b: {  	s0 =	simm.s32 @!p0 $0x1  }
0x4c: {  	_ =	swait.ge @!p0 [sflag:s0], s1  }
0x4d: {  	s1 =	ssub.s32 @!p0 $0x0, s1;
	[sflag:s0] =	ssyncset.done @!p0 $0x0  }
0x4e: {  	[sflag:s0] =	ssyncadd.s32 @!p0 s1  }
0x4f: {  	[bflag:$0x3] =	sbarrier.arrive $0xFFFF  }
0x50: {  	_ =	shalt  }

</sc_bundles>
